<compile_context>
chip_gen: v7x
topology: tpu7x:2x2x1
jax: 0.10.2.dev20260603
libtpu: 0.0.44.dev20260713+nightly
codegen_flags: <defaults>
</compile_context>

<pallas_src>
import functools

import jax
import jax.numpy as jnp
from jax import lax
from jax.experimental import pallas as pl
from jax.experimental.pallas import tpu as pltpu
from jax.experimental.pallas import tpu_sc as plsc

_EPS = 0.1
_SCALE = _EPS / (1.0 - _EPS * _EPS)
_BND = 1.0 - 2.0 * _EPS
_HALF_PI = 1.5707963267948966

_NC, _NS, _L = 2, 16, 16
_NW = _NC * _NS
_B = 16384
_D = 64
_SD = 2 * _D
_PPW = _B // _NW
_RPW = 2 * _PPW
_CHUNK = 128
_SROWS = 256
_NST = _RPW // _SROWS
_GPS = _SROWS // (2 * _L)


def _rsqrt(x):
  i = plsc.bitcast(x, jnp.int32)
  y = plsc.bitcast(jnp.int32(0x5F3759DF) - (i >> 1), jnp.float32)
  for _ in range(3):
    y = y * (1.5 - 0.5 * x * y * y)
  return y


def _sqrt(x):
  return x * _rsqrt(jnp.maximum(x, 1e-30))


def _asin(x):
  a = jnp.abs(x)
  big = a > 0.5
  zb = 0.5 * (1.0 - a)
  z = jnp.where(big, zb, a * a)
  w = jnp.where(big, _sqrt(zb), a)
  p = ((((4.2163199048e-2 * z + 2.4181311049e-2) * z + 4.5470025998e-2) * z
        + 7.4953002686e-2) * z + 1.6666752422e-1)
  p = w + w * z * p
  r = jnp.where(big, _HALF_PI - 2.0 * p, p)
  return jnp.where(x < 0.0, -r, r)


def _sigmoid(x):
  return 1.0 / (1.0 + jnp.exp(-x))


def _body(idx_hbm, ang_hbm, rad_hbm, out_hbm,
          idx_v, rows_v, rr_v, out_v, sem, rsem):
  w = lax.axis_index("s") * _NC + lax.axis_index("c")
  row_base = w * _RPW

  pltpu.sync_copy(idx_hbm.at[pl.ds(row_base, _RPW)], idx_v)

  rcopies = []
  for c in range(_RPW // _CHUNK):
    sl = pl.ds(c * _CHUNK, _CHUNK)
    rcopies.append(pltpu.async_copy(rad_hbm.at[idx_v.at[sl]], rr_v.at[sl], rsem))
  for cp in rcopies:
    cp.wait()

  lanes = lax.iota(jnp.int32, _L)

  def stage(s, carry):
    copies = []
    for c in range(_SROWS // _CHUNK):
      isl = pl.ds(s * _SROWS + c * _CHUNK, _CHUNK)
      dsl = pl.ds(c * _CHUNK, _CHUNK)
      copies.append(
          pltpu.async_copy(ang_hbm.at[idx_v.at[isl]], rows_v.at[dsl], sem))
    for cp in copies:
      cp.wait()

    def group_body(g, c):
      slot = g * (2 * _L) + 2 * lanes
      gp = s * (_SROWS // 2) + g * _L

      def d_body(d8, acc):
        su, sv, duv = acc
        for k in range(8):
          dcol = jnp.full((_L,), d8 * 8 + k, dtype=jnp.int32)
          uu = plsc.load_gather(rows_v, [slot, dcol])
          vv = plsc.load_gather(rows_v, [slot + 1, dcol])
          su = su + uu * uu
          sv = sv + vv * vv
          duv = duv + uu * vv
        return su, sv, duv

      zero = jnp.zeros((_L,), jnp.float32)
      su, sv, duv = lax.fori_loop(0, _D // 8, d_body, (zero, zero, zero))

      r0 = _EPS + _BND * _sigmoid(plsc.load_gather(rr_v, [2 * (gp + lanes)]))
      r1 = _EPS + _BND * _sigmoid(plsc.load_gather(rr_v, [2 * (gp + lanes) + 1]))
      r20 = r0 * r0
      r21 = r1 * r1

      inv_nu = _rsqrt(jnp.maximum(su, 1e-24))
      inv_nv = _rsqrt(jnp.maximum(sv, 1e-24))
      dot = r0 * r1 * (duv * inv_nu * inv_nv)
      hu = su * inv_nu * inv_nu
      hv = sv * inv_nv * inv_nv
      dist = _sqrt(jnp.maximum(r20 * hu + r21 * hv - 2.0 * dot, 0.0))

      ps = _SCALE * (1.0 - r20) / r0
      ps = jnp.minimum(jnp.maximum(ps, -1.0), 1.0)
      pa = _asin(ps)

      cn = dot * (1.0 + r20) - r20 * (1.0 + r21)
      cd = r0 * dist * _sqrt(jnp.maximum(1.0 + r20 * r21 - 2.0 * dot, 0.0)) + 1e-22
      cosv = jnp.minimum(jnp.maximum(cn / cd, -1.0), 1.0)

      res = jnp.minimum(pa + _asin(cosv) - _HALF_PI, 0.0)
      plsc.store_scatter(out_v, [gp + lanes], res)
      return c

    lax.fori_loop(0, _GPS, group_body, 0)
    return carry

  lax.fori_loop(0, _NST, stage, 0)
  pltpu.sync_copy(out_v, out_hbm.at[pl.ds(w * _PPW, _PPW)])


_sc_call = functools.partial(
    pl.kernel,
    mesh=plsc.VectorSubcoreMesh(core_axis_name="c", subcore_axis_name="s"),
    out_type=jax.ShapeDtypeStruct((_B,), jnp.float32),
    scratch_types=[
        pltpu.VMEM((_RPW,), jnp.int32),
        pltpu.VMEM((_SROWS, _SD), jnp.float32),
        pltpu.VMEM((_RPW,), jnp.float32),
        pltpu.VMEM((_PPW,), jnp.float32),
        pltpu.SemaphoreType.DMA,
        pltpu.SemaphoreType.DMA,
    ],
    compiler_params=pltpu.CompilerParams(needs_layout_passes=False),
)(_body)


_V = 1000000
_TBLK = 8192


def _transpose_body(src_ref, dst_ref):
  ii = lax.broadcasted_iota(jnp.int32, (2 * _D, _D), 0)
  jj = lax.broadcasted_iota(jnp.int32, (2 * _D, _D), 1)
  eye2 = jnp.where((ii % _D) == jj, 1.0, 0.0).astype(jnp.bfloat16)
  x = src_ref[...]
  hi = x.astype(jnp.bfloat16)
  lo = (x - hi.astype(jnp.float32)).astype(jnp.bfloat16)
  xcat = jnp.concatenate([hi, lo], axis=0)
  t = lax.dot_general(
      xcat, eye2, (((0,), (0,)), ((), ())),
      preferred_element_type=jnp.float32)
  dst_ref[:, :_D] = t


def _transpose_pad(table_t):
  return pl.pallas_call(
      _transpose_body,
      grid=((_V + _TBLK - 1) // _TBLK,),
      in_specs=[pl.BlockSpec((_D, _TBLK), lambda i: (0, i))],
      out_specs=pl.BlockSpec((_TBLK, _SD), lambda i: (i, 0)),
      out_shape=jax.ShapeDtypeStruct((_V, _SD), jnp.float32),
  )(table_t)


def kernel(idxs, angles_w, radii_raw):
  idx_flat = idxs.reshape(-1).astype(jnp.int32)
  padded = _transpose_pad(angles_w.T)
  return _sc_call(idx_flat, padded, radii_raw)

# --- scband reference (transcript-rebuilt; emitter-appended) ---
"""Pipeline reference for scband-hyperbolic-entailment-cones-13700945674306 (READ-ONLY COPY).

The authoritative reference and input builder live on the scoring server;
editing this copy changes nothing except your own understanding.
"""

import jax, jax.numpy as jnp
import numpy as np

NUM_ENTITY = 1000000
DIM = 64
EPS = 0.1
SCALE = 1.0 * EPS / (1.0 - EPS ** 2)


def setup_inputs(seed: int = 0) -> dict:
    key = jax.random.key(seed)
    k1, k2, k3 = jax.random.split(key, 3)
    idxs = jax.random.randint(k1, (16384, 2), 0, NUM_ENTITY)
    angles_w = jax.random.normal(k2, (NUM_ENTITY, DIM), dtype=jnp.float32)
    # BoundedTemp: radii bounded in (EPS, 1-EPS) via sigmoid of a raw parameter,
    # initialized so that the bounded value equals initial_radius.
    initial_radius = 0.5 + 0.9 * (1.0 - 2.0 * EPS) * (jax.random.uniform(k3, (NUM_ENTITY,), dtype=jnp.float32) - 0.5)
    t = (initial_radius - EPS) / (1.0 - 2.0 * EPS)
    radii_raw = jnp.log(t / (1.0 - t))
    return {"idxs": idxs, "angles_w": angles_w, "radii_raw": radii_raw}


def reference(idxs, angles_w, radii_raw):
    # embedding lookup + L2 normalize (F.normalize with eps=1e-12)
    ang = jnp.take(angles_w, idxs, axis=0)  # [B, 2, D]
    nrm = jnp.linalg.norm(ang, axis=-1, keepdims=True)
    ang = ang / jnp.maximum(nrm, 1e-12)
    # BoundedTemp lookup: EPS + (1-2*EPS) * sigmoid(raw[idx])
    radii = EPS + (1.0 - 2.0 * EPS) * jax.nn.sigmoid(jnp.take(radii_raw, idxs, axis=0))  # [B, 2]
    vectors = radii[..., None] * ang  # [B, 2, D]
    r2 = radii ** 2
    dot = jnp.sum(vectors[..., 0, :] * vectors[..., 1, :], axis=-1)
    dist = jnp.linalg.norm(vectors[..., 0, :] - vectors[..., 1, :], axis=-1)
    parent_sin = SCALE * (1.0 - r2[..., 0]) / radii[..., 0]
    parent_angle = jnp.arcsin(jnp.clip(parent_sin, -1.0, 1.0))
    cos_num = dot * (1.0 + r2[..., 0]) - r2[..., 0] * (1.0 + r2[..., 1])
    cos_den = radii[..., 0] * dist * jnp.sqrt(1.0 + r2[..., 0] * r2[..., 1] - 2.0 * dot) + 1e-22
    min_angle = jnp.arccos(jnp.clip(cos_num / cos_den, -1.0, 1.0))
    return jnp.minimum(parent_angle - min_angle, 0.0)

if __name__ == "__main__":
    import jax
    _d = setup_inputs()
    print(jax.jit(kernel)(*tuple(_d.values())))

</pallas_src>

<mosaic_0001>
#map = affine_map<(d0, d1) -> (0)>
#map1 = affine_map<(d0, d1) -> (0, 0)>
module attributes {stable_mosaic.version = 14 : i64} {
  func.func @_body(%arg0: i32, %arg1: i32, %arg2: memref<32768xi32, #tpu.memory_space<hbm>>, %arg3: memref<1000000x128xf32, #tpu.memory_space<hbm>>, %arg4: memref<1000000xf32, #tpu.memory_space<hbm>>, %arg5: memref<16384xf32, #tpu.memory_space<hbm>>, %arg6: memref<1024xi32, #tpu.memory_space<vmem>>, %arg7: memref<256x128xf32, #tpu.memory_space<vmem>>, %arg8: memref<1024xf32, #tpu.memory_space<vmem>>, %arg9: memref<512xf32, #tpu.memory_space<vmem>>, %arg10: memref<!tpu.dma_semaphore, #tpu.memory_space<semaphore_mem>>, %arg11: memref<!tpu.dma_semaphore, #tpu.memory_space<semaphore_mem>>) attributes {dimension_semantics = [#tpu.dimension_semantics<core_parallel>, #tpu.dimension_semantics<subcore_parallel>], iteration_bounds = array<i64: 2, 16>, scalar_prefetch = 0 : i64, scratch_operands = 6 : i64, tpu.core_type = #tpu.core_type<sc_vector_subcore>, window_params = [{transform_indices = #map}, {transform_indices = #map1}, {transform_indices = #map}, {transform_indices = #map}]} {
    %mul3A = arith.constant 2 : i32
    %mul3A_0 = arith.muli %arg1, %mul3A : i32
    %add3A = arith.addi %mul3A_0, %arg0 : i32
    %mul3A_1 = arith.constant 1024 : i32
    %mul3A_2 = arith.muli %add3A, %mul3A_1 : i32
    "tpu.region"() ({
      %run_scoped3A = tpu.sem_alloc : memref<!tpu.dma_semaphore, #tpu.memory_space<semaphore_mem>>
      %dma_start3A_104 = tpu.memref_slice %arg2[%mul3A_2] : memref<32768xi32, #tpu.memory_space<hbm>> -> memref<1024xi32, #tpu.memory_space<hbm>>
      %dma_start3A_105 = tpu.memref_slice %arg2[%mul3A_2] : memref<32768xi32, #tpu.memory_space<hbm>> -> memref<1024xi32, #tpu.memory_space<hbm>>
      tpu.enqueue_dma source(%dma_start3A_105 : memref<1024xi32, #tpu.memory_space<hbm>>) target(%arg6 : memref<1024xi32, #tpu.memory_space<vmem>>) target_semaphore(%run_scoped3A : memref<!tpu.dma_semaphore, #tpu.memory_space<semaphore_mem>>)
      %dma_wait3A_106 = tpu.memref_slice %arg2[%mul3A_2] : memref<32768xi32, #tpu.memory_space<hbm>> -> memref<1024xi32, #tpu.memory_space<hbm>>
      %dma_wait3A_107 = tpu.memref_slice %arg2[%mul3A_2] : memref<32768xi32, #tpu.memory_space<hbm>> -> memref<1024xi32, #tpu.memory_space<hbm>>
      tpu.wait_dma2 semaphore(%run_scoped3A : memref<!tpu.dma_semaphore, #tpu.memory_space<semaphore_mem>>) src(%dma_wait3A_107 : memref<1024xi32, #tpu.memory_space<hbm>>) dst(%arg6 : memref<1024xi32, #tpu.memory_space<vmem>>)
      tpu.yield
    }) : () -> ()
    %dma_start3A = arith.constant 0 : i32
    %dma_start3A_3 = tpu.memref_slice %arg8[%dma_start3A] : memref<1024xf32, #tpu.memory_space<vmem>> -> memref<128xf32, #tpu.memory_space<vmem>>
    %dma_start3A_4 = arith.constant 0 : i32
    %dma_start3A_5 = tpu.memref_slice %arg6[%dma_start3A_4] : memref<1024xi32, #tpu.memory_space<vmem>> -> memref<128xi32, #tpu.memory_space<vmem>>
    %dma_start3A_6 = arith.constant 0 : i32
    %dma_start3A_7 = tpu.memref_slice %arg4[%dma_start3A_6] : memref<1000000xf32, #tpu.memory_space<hbm>> -> memref<1000000xf32, #tpu.memory_space<hbm>>
    tpu.enqueue_indirect_dma source(%dma_start3A_7 : memref<1000000xf32, #tpu.memory_space<hbm>>) target(%dma_start3A_3 : memref<128xf32, #tpu.memory_space<vmem>>) offsets(%dma_start3A_5 : memref<128xi32, #tpu.memory_space<vmem>>) semaphore(%arg11 : memref<!tpu.dma_semaphore, #tpu.memory_space<semaphore_mem>>)
    %dma_start3A_8 = arith.constant 128 : i32
    %dma_start3A_9 = tpu.memref_slice %arg8[%dma_start3A_8] : memref<1024xf32, #tpu.memory_space<vmem>> -> memref<128xf32, #tpu.memory_space<vmem>>
    %dma_start3A_10 = arith.constant 128 : i32
    %dma_start3A_11 = tpu.memref_slice %arg6[%dma_start3A_10] : memref<1024xi32, #tpu.memory_space<vmem>> -> memref<128xi32, #tpu.memory_space<vmem>>
    %dma_start3A_12 = arith.constant 0 : i32
    %dma_start3A_13 = tpu.memref_slice %arg4[%dma_start3A_12] : memref<1000000xf32, #tpu.memory_space<hbm>> -> memref<1000000xf32, #tpu.memory_space<hbm>>
    tpu.enqueue_indirect_dma source(%dma_start3A_13 : memref<1000000xf32, #tpu.memory_space<hbm>>) target(%dma_start3A_9 : memref<128xf32, #tpu.memory_space<vmem>>) offsets(%dma_start3A_11 : memref<128xi32, #tpu.memory_space<vmem>>) semaphore(%arg11 : memref<!tpu.dma_semaphore, #tpu.memory_space<semaphore_mem>>)
    %dma_start3A_14 = arith.constant 256 : i32
    %dma_start3A_15 = tpu.memref_slice %arg8[%dma_start3A_14] : memref<1024xf32, #tpu.memory_space<vmem>> -> memref<128xf32, #tpu.memory_space<vmem>>
    %dma_start3A_16 = arith.constant 256 : i32
    %dma_start3A_17 = tpu.memref_slice %arg6[%dma_start3A_16] : memref<1024xi32, #tpu.memory_space<vmem>> -> memref<128xi32, #tpu.memory_space<vmem>>
    %dma_start3A_18 = arith.constant 0 : i32
    %dma_start3A_19 = tpu.memref_slice %arg4[%dma_start3A_18] : memref<1000000xf32, #tpu.memory_space<hbm>> -> memref<1000000xf32, #tpu.memory_space<hbm>>
    tpu.enqueue_indirect_dma source(%dma_start3A_19 : memref<1000000xf32, #tpu.memory_space<hbm>>) target(%dma_start3A_15 : memref<128xf32, #tpu.memory_space<vmem>>) offsets(%dma_start3A_17 : memref<128xi32, #tpu.memory_space<vmem>>) semaphore(%arg11 : memref<!tpu.dma_semaphore, #tpu.memory_space<semaphore_mem>>)
    %dma_start3A_20 = arith.constant 384 : i32
    %dma_start3A_21 = tpu.memref_slice %arg8[%dma_start3A_20] : memref<1024xf32, #tpu.memory_space<vmem>> -> memref<128xf32, #tpu.memory_space<vmem>>
    %dma_start3A_22 = arith.constant 384 : i32
    %dma_start3A_23 = tpu.memref_slice %arg6[%dma_start3A_22] : memref<1024xi32, #tpu.memory_space<vmem>> -> memref<128xi32, #tpu.memory_space<vmem>>
    %dma_start3A_24 = arith.constant 0 : i32
    %dma_start3A_25 = tpu.memref_slice %arg4[%dma_start3A_24] : memref<1000000xf32, #tpu.memory_space<hbm>> -> memref<1000000xf32, #tpu.memory_space<hbm>>
    tpu.enqueue_indirect_dma source(%dma_start3A_25 : memref<1000000xf32, #tpu.memory_space<hbm>>) target(%dma_start3A_21 : memref<128xf32, #tpu.memory_space<vmem>>) offsets(%dma_start3A_23 : memref<128xi32, #tpu.memory_space<vmem>>) semaphore(%arg11 : memref<!tpu.dma_semaphore, #tpu.memory_space<semaphore_mem>>)
    %dma_start3A_26 = arith.constant 512 : i32
    %dma_start3A_27 = tpu.memref_slice %arg8[%dma_start3A_26] : memref<1024xf32, #tpu.memory_space<vmem>> -> memref<128xf32, #tpu.memory_space<vmem>>
    %dma_start3A_28 = arith.constant 512 : i32
    %dma_start3A_29 = tpu.memref_slice %arg6[%dma_start3A_28] : memref<1024xi32, #tpu.memory_space<vmem>> -> memref<128xi32, #tpu.memory_space<vmem>>
    %dma_start3A_30 = arith.constant 0 : i32
    %dma_start3A_31 = tpu.memref_slice %arg4[%dma_start3A_30] : memref<1000000xf32, #tpu.memory_space<hbm>> -> memref<1000000xf32, #tpu.memory_space<hbm>>
    tpu.enqueue_indirect_dma source(%dma_start3A_31 : memref<1000000xf32, #tpu.memory_space<hbm>>) target(%dma_start3A_27 : memref<128xf32, #tpu.memory_space<vmem>>) offsets(%dma_start3A_29 : memref<128xi32, #tpu.memory_space<vmem>>) semaphore(%arg11 : memref<!tpu.dma_semaphore, #tpu.memory_space<semaphore_mem>>)
    %dma_start3A_32 = arith.constant 640 : i32
    %dma_start3A_33 = tpu.memref_slice %arg8[%dma_start3A_32] : memref<1024xf32, #tpu.memory_space<vmem>> -> memref<128xf32, #tpu.memory_space<vmem>>
    %dma_start3A_34 = arith.constant 640 : i32
    %dma_start3A_35 = tpu.memref_slice %arg6[%dma_start3A_34] : memref<1024xi32, #tpu.memory_space<vmem>> -> memref<128xi32, #tpu.memory_space<vmem>>
    %dma_start3A_36 = arith.constant 0 : i32
    %dma_start3A_37 = tpu.memref_slice %arg4[%dma_start3A_36] : memref<1000000xf32, #tpu.memory_space<hbm>> -> memref<1000000xf32, #tpu.memory_space<hbm>>
    tpu.enqueue_indirect_dma source(%dma_start3A_37 : memref<1000000xf32, #tpu.memory_space<hbm>>) target(%dma_start3A_33 : memref<128xf32, #tpu.memory_space<vmem>>) offsets(%dma_start3A_35 : memref<128xi32, #tpu.memory_space<vmem>>) semaphore(%arg11 : memref<!tpu.dma_semaphore, #tpu.memory_space<semaphore_mem>>)
    %dma_start3A_38 = arith.constant 768 : i32
    %dma_start3A_39 = tpu.memref_slice %arg8[%dma_start3A_38] : memref<1024xf32, #tpu.memory_space<vmem>> -> memref<128xf32, #tpu.memory_space<vmem>>
    %dma_start3A_40 = arith.constant 768 : i32
    %dma_start3A_41 = tpu.memref_slice %arg6[%dma_start3A_40] : memref<1024xi32, #tpu.memory_space<vmem>> -> memref<128xi32, #tpu.memory_space<vmem>>
    %dma_start3A_42 = arith.constant 0 : i32
    %dma_start3A_43 = tpu.memref_slice %arg4[%dma_start3A_42] : memref<1000000xf32, #tpu.memory_space<hbm>> -> memref<1000000xf32, #tpu.memory_space<hbm>>
    tpu.enqueue_indirect_dma source(%dma_start3A_43 : memref<1000000xf32, #tpu.memory_space<hbm>>) target(%dma_start3A_39 : memref<128xf32, #tpu.memory_space<vmem>>) offsets(%dma_start3A_41 : memref<128xi32, #tpu.memory_space<vmem>>) semaphore(%arg11 : memref<!tpu.dma_semaphore, #tpu.memory_space<semaphore_mem>>)
    %dma_start3A_44 = arith.constant 896 : i32
    %dma_start3A_45 = tpu.memref_slice %arg8[%dma_start3A_44] : memref<1024xf32, #tpu.memory_space<vmem>> -> memref<128xf32, #tpu.memory_space<vmem>>
    %dma_start3A_46 = arith.constant 896 : i32
    %dma_start3A_47 = tpu.memref_slice %arg6[%dma_start3A_46] : memref<1024xi32, #tpu.memory_space<vmem>> -> memref<128xi32, #tpu.memory_space<vmem>>
    %dma_start3A_48 = arith.constant 0 : i32
    %dma_start3A_49 = tpu.memref_slice %arg4[%dma_start3A_48] : memref<1000000xf32, #tpu.memory_space<hbm>> -> memref<1000000xf32, #tpu.memory_space<hbm>>
    tpu.enqueue_indirect_dma source(%dma_start3A_49 : memref<1000000xf32, #tpu.memory_space<hbm>>) target(%dma_start3A_45 : memref<128xf32, #tpu.memory_space<vmem>>) offsets(%dma_start3A_47 : memref<128xi32, #tpu.memory_space<vmem>>) semaphore(%arg11 : memref<!tpu.dma_semaphore, #tpu.memory_space<semaphore_mem>>)
    %dma_wait3A = arith.constant 0 : i32
    %dma_wait3A_50 = tpu.memref_slice %arg8[%dma_wait3A] : memref<1024xf32, #tpu.memory_space<vmem>> -> memref<128xf32, #tpu.memory_space<vmem>>
    %dma_wait3A_51 = arith.constant 0 : i32
    %dma_wait3A_52 = tpu.memref_slice %arg6[%dma_wait3A_51] : memref<1024xi32, #tpu.memory_space<vmem>> -> memref<128xi32, #tpu.memory_space<vmem>>
    %dma_wait3A_53 = arith.constant 0 : i32
    %dma_wait3A_54 = tpu.memref_slice %arg4[%dma_wait3A_53] : memref<1000000xf32, #tpu.memory_space<hbm>> -> memref<1000000xf32, #tpu.memory_space<hbm>>
    tpu.wait_indirect_dma semaphore(%arg11 : memref<!tpu.dma_semaphore, #tpu.memory_space<semaphore_mem>>) src(%dma_wait3A_54 : memref<1000000xf32, #tpu.memory_space<hbm>>) dst(%dma_wait3A_50 : memref<128xf32, #tpu.memory_space<vmem>>)
    %dma_wait3A_55 = arith.constant 128 : i32
    %dma_wait3A_56 = tpu.memref_slice %arg8[%dma_wait3A_55] : memref<1024xf32, #tpu.memory_space<vmem>> -> memref<128xf32, #tpu.memory_space<vmem>>
    %dma_wait3A_57 = arith.constant 128 : i32
    %dma_wait3A_58 = tpu.memref_slice %arg6[%dma_wait3A_57] : memref<1024xi32, #tpu.memory_space<vmem>> -> memref<128xi32, #tpu.memory_space<vmem>>
    %dma_wait3A_59 = arith.constant 0 : i32
    %dma_wait3A_60 = tpu.memref_slice %arg4[%dma_wait3A_59] : memref<1000000xf32, #tpu.memory_space<hbm>> -> memref<1000000xf32, #tpu.memory_space<hbm>>
    tpu.wait_indirect_dma semaphore(%arg11 : memref<!tpu.dma_semaphore, #tpu.memory_space<semaphore_mem>>) src(%dma_wait3A_60 : memref<1000000xf32, #tpu.memory_space<hbm>>) dst(%dma_wait3A_56 : memref<128xf32, #tpu.memory_space<vmem>>)
    %dma_wait3A_61 = arith.constant 256 : i32
    %dma_wait3A_62 = tpu.memref_slice %arg8[%dma_wait3A_61] : memref<1024xf32, #tpu.memory_space<vmem>> -> memref<128xf32, #tpu.memory_space<vmem>>
    %dma_wait3A_63 = arith.constant 256 : i32
    %dma_wait3A_64 = tpu.memref_slice %arg6[%dma_wait3A_63] : memref<1024xi32, #tpu.memory_space<vmem>> -> memref<128xi32, #tpu.memory_space<vmem>>
    %dma_wait3A_65 = arith.constant 0 : i32
    %dma_wait3A_66 = tpu.memref_slice %arg4[%dma_wait3A_65] : memref<1000000xf32, #tpu.memory_space<hbm>> -> memref<1000000xf32, #tpu.memory_space<hbm>>
    tpu.wait_indirect_dma semaphore(%arg11 : memref<!tpu.dma_semaphore, #tpu.memory_space<semaphore_mem>>) src(%dma_wait3A_66 : memref<1000000xf32, #tpu.memory_space<hbm>>) dst(%dma_wait3A_62 : memref<128xf32, #tpu.memory_space<vmem>>)
    %dma_wait3A_67 = arith.constant 384 : i32
    %dma_wait3A_68 = tpu.memref_slice %arg8[%dma_wait3A_67] : memref<1024xf32, #tpu.memory_space<vmem>> -> memref<128xf32, #tpu.memory_space<vmem>>
    %dma_wait3A_69 = arith.constant 384 : i32
    %dma_wait3A_70 = tpu.memref_slice %arg6[%dma_wait3A_69] : memref<1024xi32, #tpu.memory_space<vmem>> -> memref<128xi32, #tpu.memory_space<vmem>>
    %dma_wait3A_71 = arith.constant 0 : i32
    %dma_wait3A_72 = tpu.memref_slice %arg4[%dma_wait3A_71] : memref<1000000xf32, #tpu.memory_space<hbm>> -> memref<1000000xf32, #tpu.memory_space<hbm>>
    tpu.wait_indirect_dma semaphore(%arg11 : memref<!tpu.dma_semaphore, #tpu.memory_space<semaphore_mem>>) src(%dma_wait3A_72 : memref<1000000xf32, #tpu.memory_space<hbm>>) dst(%dma_wait3A_68 : memref<128xf32, #tpu.memory_space<vmem>>)
    %dma_wait3A_73 = arith.constant 512 : i32
    %dma_wait3A_74 = tpu.memref_slice %arg8[%dma_wait3A_73] : memref<1024xf32, #tpu.memory_space<vmem>> -> memref<128xf32, #tpu.memory_space<vmem>>
    %dma_wait3A_75 = arith.constant 512 : i32
    %dma_wait3A_76 = tpu.memref_slice %arg6[%dma_wait3A_75] : memref<1024xi32, #tpu.memory_space<vmem>> -> memref<128xi32, #tpu.memory_space<vmem>>
    %dma_wait3A_77 = arith.constant 0 : i32
    %dma_wait3A_78 = tpu.memref_slice %arg4[%dma_wait3A_77] : memref<1000000xf32, #tpu.memory_space<hbm>> -> memref<1000000xf32, #tpu.memory_space<hbm>>
    tpu.wait_indirect_dma semaphore(%arg11 : memref<!tpu.dma_semaphore, #tpu.memory_space<semaphore_mem>>) src(%dma_wait3A_78 : memref<1000000xf32, #tpu.memory_space<hbm>>) dst(%dma_wait3A_74 : memref<128xf32, #tpu.memory_space<vmem>>)
    %dma_wait3A_79 = arith.constant 640 : i32
    %dma_wait3A_80 = tpu.memref_slice %arg8[%dma_wait3A_79] : memref<1024xf32, #tpu.memory_space<vmem>> -> memref<128xf32, #tpu.memory_space<vmem>>
    %dma_wait3A_81 = arith.constant 640 : i32
    %dma_wait3A_82 = tpu.memref_slice %arg6[%dma_wait3A_81] : memref<1024xi32, #tpu.memory_space<vmem>> -> memref<128xi32, #tpu.memory_space<vmem>>
    %dma_wait3A_83 = arith.constant 0 : i32
    %dma_wait3A_84 = tpu.memref_slice %arg4[%dma_wait3A_83] : memref<1000000xf32, #tpu.memory_space<hbm>> -> memref<1000000xf32, #tpu.memory_space<hbm>>
    tpu.wait_indirect_dma semaphore(%arg11 : memref<!tpu.dma_semaphore, #tpu.memory_space<semaphore_mem>>) src(%dma_wait3A_84 : memref<1000000xf32, #tpu.memory_space<hbm>>) dst(%dma_wait3A_80 : memref<128xf32, #tpu.memory_space<vmem>>)
    %dma_wait3A_85 = arith.constant 768 : i32
    %dma_wait3A_86 = tpu.memref_slice %arg8[%dma_wait3A_85] : memref<1024xf32, #tpu.memory_space<vmem>> -> memref<128xf32, #tpu.memory_space<vmem>>
    %dma_wait3A_87 = arith.constant 768 : i32
    %dma_wait3A_88 = tpu.memref_slice %arg6[%dma_wait3A_87] : memref<1024xi32, #tpu.memory_space<vmem>> -> memref<128xi32, #tpu.memory_space<vmem>>
    %dma_wait3A_89 = arith.constant 0 : i32
    %dma_wait3A_90 = tpu.memref_slice %arg4[%dma_wait3A_89] : memref<1000000xf32, #tpu.memory_space<hbm>> -> memref<1000000xf32, #tpu.memory_space<hbm>>
    tpu.wait_indirect_dma semaphore(%arg11 : memref<!tpu.dma_semaphore, #tpu.memory_space<semaphore_mem>>) src(%dma_wait3A_90 : memref<1000000xf32, #tpu.memory_space<hbm>>) dst(%dma_wait3A_86 : memref<128xf32, #tpu.memory_space<vmem>>)
    %dma_wait3A_91 = arith.constant 896 : i32
    %dma_wait3A_92 = tpu.memref_slice %arg8[%dma_wait3A_91] : memref<1024xf32, #tpu.memory_space<vmem>> -> memref<128xf32, #tpu.memory_space<vmem>>
    %dma_wait3A_93 = arith.constant 896 : i32
    %dma_wait3A_94 = tpu.memref_slice %arg6[%dma_wait3A_93] : memref<1024xi32, #tpu.memory_space<vmem>> -> memref<128xi32, #tpu.memory_space<vmem>>
    %dma_wait3A_95 = arith.constant 0 : i32
    %dma_wait3A_96 = tpu.memref_slice %arg4[%dma_wait3A_95] : memref<1000000xf32, #tpu.memory_space<hbm>> -> memref<1000000xf32, #tpu.memory_space<hbm>>
    tpu.wait_indirect_dma semaphore(%arg11 : memref<!tpu.dma_semaphore, #tpu.memory_space<semaphore_mem>>) src(%dma_wait3A_96 : memref<1000000xf32, #tpu.memory_space<hbm>>) dst(%dma_wait3A_92 : memref<128xf32, #tpu.memory_space<vmem>>)
    %iota3A = tpu.iota {dimensions = array<i32: 0>} : vector<16xi32>
    %scan3A = arith.constant 0 : i32
    %scan3A_97 = arith.constant 0 : i32
    %scan3A_98 = arith.constant 4 : i32
    %scan3A_99 = arith.addi %scan3A_97, %scan3A_98 : i32
    %scan3A_100 = arith.constant 1 : i32
    scf.for %scan3A_104 = %scan3A_97 to %scan3A_99 step %scan3A_100  : i32 {
      %mul3A_105 = arith.constant 256 : i32
      %mul3A_106 = arith.muli %scan3A_104, %mul3A_105 : i32
      %add3A_107 = arith.constant 0 : i32
      %add3A_108 = arith.addi %mul3A_106, %add3A_107 : i32
      %dma_start3A_109 = arith.constant 0 : i32
      %dma_start3A_110 = arith.constant 0 : i32
      %dma_start3A_111 = tpu.memref_slice %arg7[%dma_start3A_109, %dma_start3A_110] : memref<256x128xf32, #tpu.memory_space<vmem>> -> memref<128x128xf32, #tpu.memory_space<vmem>>
      %dma_start3A_112 = tpu.memref_slice %arg6[%add3A_108] : memref<1024xi32, #tpu.memory_space<vmem>> -> memref<128xi32, #tpu.memory_space<vmem>>
      %dma_start3A_113 = arith.constant 0 : i32
      %dma_start3A_114 = arith.constant 0 : i32
      %dma_start3A_115 = tpu.memref_slice %arg3[%dma_start3A_113, %dma_start3A_114] : memref<1000000x128xf32, #tpu.memory_space<hbm>> -> memref<1000000x128xf32, #tpu.memory_space<hbm>>
      tpu.enqueue_indirect_dma source(%dma_start3A_115 : memref<1000000x128xf32, #tpu.memory_space<hbm>>) target(%dma_start3A_111 : memref<128x128xf32, #tpu.memory_space<vmem>>) offsets(%dma_start3A_112 : memref<128xi32, #tpu.memory_space<vmem>>) semaphore(%arg10 : memref<!tpu.dma_semaphore, #tpu.memory_space<semaphore_mem>>)
      %mul3A_116 = arith.constant 256 : i32
      %mul3A_117 = arith.muli %scan3A_104, %mul3A_116 : i32
      %add3A_118 = arith.constant 128 : i32
      %add3A_119 = arith.addi %mul3A_117, %add3A_118 : i32
      %dma_start3A_120 = arith.constant 128 : i32
      %dma_start3A_121 = arith.constant 0 : i32
      %dma_start3A_122 = tpu.memref_slice %arg7[%dma_start3A_120, %dma_start3A_121] : memref<256x128xf32, #tpu.memory_space<vmem>> -> memref<128x128xf32, #tpu.memory_space<vmem>>
      %dma_start3A_123 = tpu.memref_slice %arg6[%add3A_119] : memref<1024xi32, #tpu.memory_space<vmem>> -> memref<128xi32, #tpu.memory_space<vmem>>
      %dma_start3A_124 = arith.constant 0 : i32
      %dma_start3A_125 = arith.constant 0 : i32
      %dma_start3A_126 = tpu.memref_slice %arg3[%dma_start3A_124, %dma_start3A_125] : memref<1000000x128xf32, #tpu.memory_space<hbm>> -> memref<1000000x128xf32, #tpu.memory_space<hbm>>
      tpu.enqueue_indirect_dma source(%dma_start3A_126 : memref<1000000x128xf32, #tpu.memory_space<hbm>>) target(%dma_start3A_122 : memref<128x128xf32, #tpu.memory_space<vmem>>) offsets(%dma_start3A_123 : memref<128xi32, #tpu.memory_space<vmem>>) semaphore(%arg10 : memref<!tpu.dma_semaphore, #tpu.memory_space<semaphore_mem>>)
      %dma_wait3A_127 = arith.constant 0 : i32
      %dma_wait3A_128 = arith.constant 0 : i32
      %dma_wait3A_129 = tpu.memref_slice %arg7[%dma_wait3A_127, %dma_wait3A_128] : memref<256x128xf32, #tpu.memory_space<vmem>> -> memref<128x128xf32, #tpu.memory_space<vmem>>
      %dma_wait3A_130 = tpu.memref_slice %arg6[%add3A_108] : memref<1024xi32, #tpu.memory_space<vmem>> -> memref<128xi32, #tpu.memory_space<vmem>>
      %dma_wait3A_131 = arith.constant 0 : i32
      %dma_wait3A_132 = arith.constant 0 : i32
      %dma_wait3A_133 = tpu.memref_slice %arg3[%dma_wait3A_131, %dma_wait3A_132] : memref<1000000x128xf32, #tpu.memory_space<hbm>> -> memref<1000000x128xf32, #tpu.memory_space<hbm>>
      tpu.wait_indirect_dma semaphore(%arg10 : memref<!tpu.dma_semaphore, #tpu.memory_space<semaphore_mem>>) src(%dma_wait3A_133 : memref<1000000x128xf32, #tpu.memory_space<hbm>>) dst(%dma_wait3A_129 : memref<128x128xf32, #tpu.memory_space<vmem>>)
      %dma_wait3A_134 = arith.constant 128 : i32
      %dma_wait3A_135 = arith.constant 0 : i32
      %dma_wait3A_136 = tpu.memref_slice %arg7[%dma_wait3A_134, %dma_wait3A_135] : memref<256x128xf32, #tpu.memory_space<vmem>> -> memref<128x128xf32, #tpu.memory_space<vmem>>
      %dma_wait3A_137 = tpu.memref_slice %arg6[%add3A_119] : memref<1024xi32, #tpu.memory_space<vmem>> -> memref<128xi32, #tpu.memory_space<vmem>>
      %dma_wait3A_138 = arith.constant 0 : i32
      %dma_wait3A_139 = arith.constant 0 : i32
      %dma_wait3A_140 = tpu.memref_slice %arg3[%dma_wait3A_138, %dma_wait3A_139] : memref<1000000x128xf32, #tpu.memory_space<hbm>> -> memref<1000000x128xf32, #tpu.memory_space<hbm>>
      tpu.wait_indirect_dma semaphore(%arg10 : memref<!tpu.dma_semaphore, #tpu.memory_space<semaphore_mem>>) src(%dma_wait3A_140 : memref<1000000x128xf32, #tpu.memory_space<hbm>>) dst(%dma_wait3A_136 : memref<128x128xf32, #tpu.memory_space<vmem>>)
      %scan3A_141 = arith.constant 0 : i32
      %scan3A_142 = arith.constant 0 : i32
      %scan3A_143 = arith.constant 8 : i32
      %scan3A_144 = arith.addi %scan3A_142, %scan3A_143 : i32
      %scan3A_145 = arith.constant 1 : i32
      scf.for %scan3A_147 = %scan3A_142 to %scan3A_144 step %scan3A_145  : i32 {
        %mul3A_148 = arith.constant 32 : i32
        %mul3A_149 = arith.muli %scan3A_147, %mul3A_148 : i32
        %mul3A_150 = arith.constant 2 : i32
        %mul3A_151 = vector.broadcast %mul3A_150 : i32 to vector<16xi32>
        %mul3A_152 = arith.muli %mul3A_151, %iota3A : vector<16xi32>
        %add3A_153 = vector.broadcast %mul3A_149 : i32 to vector<16xi32>
        %add3A_154 = arith.addi %add3A_153, %mul3A_152 : vector<16xi32>
        %mul3A_155 = arith.constant 128 : i32
        %mul3A_156 = arith.muli %scan3A_104, %mul3A_155 : i32
        %mul3A_157 = arith.constant 16 : i32
        %mul3A_158 = arith.muli %scan3A_147, %mul3A_157 : i32
        %add3A_159 = arith.addi %mul3A_156, %mul3A_158 : i32
        %broadcast_in_dim3A = arith.constant 0.000000e+00 : f32
        %broadcast_in_dim3A_160 = vector.broadcast %broadcast_in_dim3A : f32 to vector<16xf32>
        %scan3A_161 = arith.constant 0 : i32
        %scan3A_162 = arith.constant 8 : i32
        %scan3A_163 = arith.addi %scan3A_161, %scan3A_162 : i32
        %scan3A_164 = arith.constant 1 : i32
        %scan3A_165:3 = scf.for %scan3A_603 = %scan3A_161 to %scan3A_163 step %scan3A_164 iter_args(%scan3A_604 = %broadcast_in_dim3A_160, %scan3A_605 = %broadcast_in_dim3A_160, %scan3A_606 = %broadcast_in_dim3A_160) -> (vector<16xf32>, vector<16xf32>, vector<16xf32>)  : i32 {
          %mul3A_607 = arith.constant 8 : i32
          %mul3A_608 = arith.muli %scan3A_603, %mul3A_607 : i32
          %add3A_609 = arith.constant 0 : i32
          %add3A_610 = arith.addi %mul3A_608, %add3A_609 : i32
          %broadcast_in_dim3A_611 = vector.broadcast %add3A_610 : i32 to vector<16xi32>
          %gather3A_612 = tpu.vector_load_idx %arg7[%add3A_154, %broadcast_in_dim3A_611] : memref<256x128xf32, #tpu.memory_space<vmem>>[vector<16xi32>, vector<16xi32>], vector<16xf32>,
          %add3A_613 = arith.constant 1 : i32
          %add3A_614 = vector.broadcast %add3A_613 : i32 to vector<16xi32>
          %add3A_615 = arith.addi %add3A_154, %add3A_614 : vector<16xi32>
          %gather3A_616 = tpu.vector_load_idx %arg7[%add3A_615, %broadcast_in_dim3A_611] : memref<256x128xf32, #tpu.memory_space<vmem>>[vector<16xi32>, vector<16xi32>], vector<16xf32>,
          %mul3A_617 = arith.mulf %gather3A_612, %gather3A_612 : vector<16xf32>
          %add3A_618 = arith.addf %scan3A_604, %mul3A_617 : vector<16xf32>
          %mul3A_619 = arith.mulf %gather3A_616, %gather3A_616 : vector<16xf32>
          %add3A_620 = arith.addf %scan3A_605, %mul3A_619 : vector<16xf32>
          %mul3A_621 = arith.mulf %gather3A_612, %gather3A_616 : vector<16xf32>
          %add3A_622 = arith.addf %scan3A_606, %mul3A_621 : vector<16xf32>
          %mul3A_623 = arith.constant 8 : i32
          %mul3A_624 = arith.muli %scan3A_603, %mul3A_623 : i32
          %add3A_625 = arith.constant 1 : i32
          %add3A_626 = arith.addi %mul3A_624, %add3A_625 : i32
          %broadcast_in_dim3A_627 = vector.broadcast %add3A_626 : i32 to vector<16xi32>
          %gather3A_628 = tpu.vector_load_idx %arg7[%add3A_154, %broadcast_in_dim3A_627] : memref<256x128xf32, #tpu.memory_space<vmem>>[vector<16xi32>, vector<16xi32>], vector<16xf32>,
          %add3A_629 = arith.constant 1 : i32
          %add3A_630 = vector.broadcast %add3A_629 : i32 to vector<16xi32>
          %add3A_631 = arith.addi %add3A_154, %add3A_630 : vector<16xi32>
          %gather3A_632 = tpu.vector_load_idx %arg7[%add3A_631, %broadcast_in_dim3A_627] : memref<256x128xf32, #tpu.memory_space<vmem>>[vector<16xi32>, vector<16xi32>], vector<16xf32>,
          %mul3A_633 = arith.mulf %gather3A_628, %gather3A_628 : vector<16xf32>
          %add3A_634 = arith.addf %add3A_618, %mul3A_633 : vector<16xf32>
          %mul3A_635 = arith.mulf %gather3A_632, %gather3A_632 : vector<16xf32>
          %add3A_636 = arith.addf %add3A_620, %mul3A_635 : vector<16xf32>
          %mul3A_637 = arith.mulf %gather3A_628, %gather3A_632 : vector<16xf32>
          %add3A_638 = arith.addf %add3A_622, %mul3A_637 : vector<16xf32>
          %mul3A_639 = arith.constant 8 : i32
          %mul3A_640 = arith.muli %scan3A_603, %mul3A_639 : i32
          %add3A_641 = arith.constant 2 : i32
          %add3A_642 = arith.addi %mul3A_640, %add3A_641 : i32
          %broadcast_in_dim3A_643 = vector.broadcast %add3A_642 : i32 to vector<16xi32>
          %gather3A_644 = tpu.vector_load_idx %arg7[%add3A_154, %broadcast_in_dim3A_643] : memref<256x128xf32, #tpu.memory_space<vmem>>[vector<16xi32>, vector<16xi32>], vector<16xf32>,
          %add3A_645 = arith.constant 1 : i32
          %add3A_646 = vector.broadcast %add3A_645 : i32 to vector<16xi32>
          %add3A_647 = arith.addi %add3A_154, %add3A_646 : vector<16xi32>
          %gather3A_648 = tpu.vector_load_idx %arg7[%add3A_647, %broadcast_in_dim3A_643] : memref<256x128xf32, #tpu.memory_space<vmem>>[vector<16xi32>, vector<16xi32>], vector<16xf32>,
          %mul3A_649 = arith.mulf %gather3A_644, %gather3A_644 : vector<16xf32>
          %add3A_650 = arith.addf %add3A_634, %mul3A_649 : vector<16xf32>
          %mul3A_651 = arith.mulf %gather3A_648, %gather3A_648 : vector<16xf32>
          %add3A_652 = arith.addf %add3A_636, %mul3A_651 : vector<16xf32>
          %mul3A_653 = arith.mulf %gather3A_644, %gather3A_648 : vector<16xf32>
          %add3A_654 = arith.addf %add3A_638, %mul3A_653 : vector<16xf32>
          %mul3A_655 = arith.constant 8 : i32
          %mul3A_656 = arith.muli %scan3A_603, %mul3A_655 : i32
          %add3A_657 = arith.constant 3 : i32
          %add3A_658 = arith.addi %mul3A_656, %add3A_657 : i32
          %broadcast_in_dim3A_659 = vector.broadcast %add3A_658 : i32 to vector<16xi32>
          %gather3A_660 = tpu.vector_load_idx %arg7[%add3A_154, %broadcast_in_dim3A_659] : memref<256x128xf32, #tpu.memory_space<vmem>>[vector<16xi32>, vector<16xi32>], vector<16xf32>,
          %add3A_661 = arith.constant 1 : i32
          %add3A_662 = vector.broadcast %add3A_661 : i32 to vector<16xi32>
          %add3A_663 = arith.addi %add3A_154, %add3A_662 : vector<16xi32>
          %gather3A_664 = tpu.vector_load_idx %arg7[%add3A_663, %broadcast_in_dim3A_659] : memref<256x128xf32, #tpu.memory_space<vmem>>[vector<16xi32>, vector<16xi32>], vector<16xf32>,
          %mul3A_665 = arith.mulf %gather3A_660, %gather3A_660 : vector<16xf32>
          %add3A_666 = arith.addf %add3A_650, %mul3A_665 : vector<16xf32>
          %mul3A_667 = arith.mulf %gather3A_664, %gather3A_664 : vector<16xf32>
          %add3A_668 = arith.addf %add3A_652, %mul3A_667 : vector<16xf32>
          %mul3A_669 = arith.mulf %gather3A_660, %gather3A_664 : vector<16xf32>
          %add3A_670 = arith.addf %add3A_654, %mul3A_669 : vector<16xf32>
          %mul3A_671 = arith.constant 8 : i32
          %mul3A_672 = arith.muli %scan3A_603, %mul3A_671 : i32
          %add3A_673 = arith.constant 4 : i32
          %add3A_674 = arith.addi %mul3A_672, %add3A_673 : i32
          %broadcast_in_dim3A_675 = vector.broadcast %add3A_674 : i32 to vector<16xi32>
          %gather3A_676 = tpu.vector_load_idx %arg7[%add3A_154, %broadcast_in_dim3A_675] : memref<256x128xf32, #tpu.memory_space<vmem>>[vector<16xi32>, vector<16xi32>], vector<16xf32>,
          %add3A_677 = arith.constant 1 : i32
          %add3A_678 = vector.broadcast %add3A_677 : i32 to vector<16xi32>
          %add3A_679 = arith.addi %add3A_154, %add3A_678 : vector<16xi32>
          %gather3A_680 = tpu.vector_load_idx %arg7[%add3A_679, %broadcast_in_dim3A_675] : memref<256x128xf32, #tpu.memory_space<vmem>>[vector<16xi32>, vector<16xi32>], vector<16xf32>,
          %mul3A_681 = arith.mulf %gather3A_676, %gather3A_676 : vector<16xf32>
          %add3A_682 = arith.addf %add3A_666, %mul3A_681 : vector<16xf32>
          %mul3A_683 = arith.mulf %gather3A_680, %gather3A_680 : vector<16xf32>
          %add3A_684 = arith.addf %add3A_668, %mul3A_683 : vector<16xf32>
          %mul3A_685 = arith.mulf %gather3A_676, %gather3A_680 : vector<16xf32>
          %add3A_686 = arith.addf %add3A_670, %mul3A_685 : vector<16xf32>
          %mul3A_687 = arith.constant 8 : i32
          %mul3A_688 = arith.muli %scan3A_603, %mul3A_687 : i32
          %add3A_689 = arith.constant 5 : i32
          %add3A_690 = arith.addi %mul3A_688, %add3A_689 : i32
          %broadcast_in_dim3A_691 = vector.broadcast %add3A_690 : i32 to vector<16xi32>
          %gather3A_692 = tpu.vector_load_idx %arg7[%add3A_154, %broadcast_in_dim3A_691] : memref<256x128xf32, #tpu.memory_space<vmem>>[vector<16xi32>, vector<16xi32>], vector<16xf32>,
          %add3A_693 = arith.constant 1 : i32
          %add3A_694 = vector.broadcast %add3A_693 : i32 to vector<16xi32>
          %add3A_695 = arith.addi %add3A_154, %add3A_694 : vector<16xi32>
          %gather3A_696 = tpu.vector_load_idx %arg7[%add3A_695, %broadcast_in_dim3A_691] : memref<256x128xf32, #tpu.memory_space<vmem>>[vector<16xi32>, vector<16xi32>], vector<16xf32>,
          %mul3A_697 = arith.mulf %gather3A_692, %gather3A_692 : vector<16xf32>
          %add3A_698 = arith.addf %add3A_682, %mul3A_697 : vector<16xf32>
          %mul3A_699 = arith.mulf %gather3A_696, %gather3A_696 : vector<16xf32>
          %add3A_700 = arith.addf %add3A_684, %mul3A_699 : vector<16xf32>
          %mul3A_701 = arith.mulf %gather3A_692, %gather3A_696 : vector<16xf32>
          %add3A_702 = arith.addf %add3A_686, %mul3A_701 : vector<16xf32>
          %mul3A_703 = arith.constant 8 : i32
          %mul3A_704 = arith.muli %scan3A_603, %mul3A_703 : i32
          %add3A_705 = arith.constant 6 : i32
          %add3A_706 = arith.addi %mul3A_704, %add3A_705 : i32
          %broadcast_in_dim3A_707 = vector.broadcast %add3A_706 : i32 to vector<16xi32>
          %gather3A_708 = tpu.vector_load_idx %arg7[%add3A_154, %broadcast_in_dim3A_707] : memref<256x128xf32, #tpu.memory_space<vmem>>[vector<16xi32>, vector<16xi32>], vector<16xf32>,
          %add3A_709 = arith.constant 1 : i32
          %add3A_710 = vector.broadcast %add3A_709 : i32 to vector<16xi32>
          %add3A_711 = arith.addi %add3A_154, %add3A_710 : vector<16xi32>
          %gather3A_712 = tpu.vector_load_idx %arg7[%add3A_711, %broadcast_in_dim3A_707] : memref<256x128xf32, #tpu.memory_space<vmem>>[vector<16xi32>, vector<16xi32>], vector<16xf32>,
          %mul3A_713 = arith.mulf %gather3A_708, %gather3A_708 : vector<16xf32>
          %add3A_714 = arith.addf %add3A_698, %mul3A_713 : vector<16xf32>
          %mul3A_715 = arith.mulf %gather3A_712, %gather3A_712 : vector<16xf32>
          %add3A_716 = arith.addf %add3A_700, %mul3A_715 : vector<16xf32>
          %mul3A_717 = arith.mulf %gather3A_708, %gather3A_712 : vector<16xf32>
          %add3A_718 = arith.addf %add3A_702, %mul3A_717 : vector<16xf32>
          %mul3A_719 = arith.constant 8 : i32
          %mul3A_720 = arith.muli %scan3A_603, %mul3A_719 : i32
          %add3A_721 = arith.constant 7 : i32
          %add3A_722 = arith.addi %mul3A_720, %add3A_721 : i32
          %broadcast_in_dim3A_723 = vector.broadcast %add3A_722 : i32 to vector<16xi32>
          %gather3A_724 = tpu.vector_load_idx %arg7[%add3A_154, %broadcast_in_dim3A_723] : memref<256x128xf32, #tpu.memory_space<vmem>>[vector<16xi32>, vector<16xi32>], vector<16xf32>,
          %add3A_725 = arith.constant 1 : i32
          %add3A_726 = vector.broadcast %add3A_725 : i32 to vector<16xi32>
          %add3A_727 = arith.addi %add3A_154, %add3A_726 : vector<16xi32>
          %gather3A_728 = tpu.vector_load_idx %arg7[%add3A_727, %broadcast_in_dim3A_723] : memref<256x128xf32, #tpu.memory_space<vmem>>[vector<16xi32>, vector<16xi32>], vector<16xf32>,
          %mul3A_729 = arith.mulf %gather3A_724, %gather3A_724 : vector<16xf32>
          %add3A_730 = arith.addf %add3A_714, %mul3A_729 : vector<16xf32>
          %mul3A_731 = arith.mulf %gather3A_728, %gather3A_728 : vector<16xf32>
          %add3A_732 = arith.addf %add3A_716, %mul3A_731 : vector<16xf32>
          %mul3A_733 = arith.mulf %gather3A_724, %gather3A_728 : vector<16xf32>
          %add3A_734 = arith.addf %add3A_718, %mul3A_733 : vector<16xf32>
          scf.yield %add3A_730, %add3A_732, %add3A_734 : vector<16xf32>, vector<16xf32>, vector<16xf32>
        }
        %scan3A_166 = arith.constant 8 : i32
        %add3A_167 = vector.broadcast %add3A_159 : i32 to vector<16xi32>
        %add3A_168 = arith.addi %add3A_167, %iota3A : vector<16xi32>
        %mul3A_169 = arith.constant 2 : i32
        %mul3A_170 = vector.broadcast %mul3A_169 : i32 to vector<16xi32>
        %mul3A_171 = arith.muli %mul3A_170, %add3A_168 : vector<16xi32>
        %gather3A = tpu.vector_load_idx %arg8[%mul3A_171] : memref<1024xf32, #tpu.memory_space<vmem>>[vector<16xi32>], vector<16xf32>,
        %neg3A = arith.constant 0.000000e+00 : f32
        %neg3A_172 = vector.broadcast %neg3A : f32 to vector<16xf32>
        %neg3A_173 = arith.subf %neg3A_172, %gather3A : vector<16xf32>
        %exp3A = math.exp %neg3A_173 : vector<16xf32>
        %add3A_174 = arith.constant 1.000000e+00 : f32
        %add3A_175 = vector.broadcast %add3A_174 : f32 to vector<16xf32>
        %add3A_176 = arith.addf %add3A_175, %exp3A : vector<16xf32>
        %div3A = arith.constant 1.000000e+00 : f32
        %div3A_177 = vector.broadcast %div3A : f32 to vector<16xf32>
        %div3A_178 = arith.divf %div3A_177, %add3A_176 : vector<16xf32>
        %mul3A_179 = arith.constant 8.000000e-01 : f32
        %mul3A_180 = vector.broadcast %mul3A_179 : f32 to vector<16xf32>
        %mul3A_181 = arith.mulf %mul3A_180, %div3A_178 : vector<16xf32>
        %add3A_182 = arith.constant 1.000000e-01 : f32
        %add3A_183 = vector.broadcast %add3A_182 : f32 to vector<16xf32>
        %add3A_184 = arith.addf %add3A_183, %mul3A_181 : vector<16xf32>
        %add3A_185 = vector.broadcast %add3A_159 : i32 to vector<16xi32>
        %add3A_186 = arith.addi %add3A_185, %iota3A : vector<16xi32>
        %mul3A_187 = arith.constant 2 : i32
        %mul3A_188 = vector.broadcast %mul3A_187 : i32 to vector<16xi32>
        %mul3A_189 = arith.muli %mul3A_188, %add3A_186 : vector<16xi32>
        %add3A_190 = arith.constant 1 : i32
        %add3A_191 = vector.broadcast %add3A_190 : i32 to vector<16xi32>
        %add3A_192 = arith.addi %mul3A_189, %add3A_191 : vector<16xi32>
        %gather3A_193 = tpu.vector_load_idx %arg8[%add3A_192] : memref<1024xf32, #tpu.memory_space<vmem>>[vector<16xi32>], vector<16xf32>,
        %neg3A_194 = arith.constant 0.000000e+00 : f32
        %neg3A_195 = vector.broadcast %neg3A_194 : f32 to vector<16xf32>
        %neg3A_196 = arith.subf %neg3A_195, %gather3A_193 : vector<16xf32>
        %exp3A_197 = math.exp %neg3A_196 : vector<16xf32>
        %add3A_198 = arith.constant 1.000000e+00 : f32
        %add3A_199 = vector.broadcast %add3A_198 : f32 to vector<16xf32>
        %add3A_200 = arith.addf %add3A_199, %exp3A_197 : vector<16xf32>
        %div3A_201 = arith.constant 1.000000e+00 : f32
        %div3A_202 = vector.broadcast %div3A_201 : f32 to vector<16xf32>
        %div3A_203 = arith.divf %div3A_202, %add3A_200 : vector<16xf32>
        %mul3A_204 = arith.constant 8.000000e-01 : f32
        %mul3A_205 = vector.broadcast %mul3A_204 : f32 to vector<16xf32>
        %mul3A_206 = arith.mulf %mul3A_205, %div3A_203 : vector<16xf32>
        %add3A_207 = arith.constant 1.000000e-01 : f32
        %add3A_208 = vector.broadcast %add3A_207 : f32 to vector<16xf32>
        %add3A_209 = arith.addf %add3A_208, %mul3A_206 : vector<16xf32>
        %mul3A_210 = arith.mulf %add3A_184, %add3A_184 : vector<16xf32>
        %mul3A_211 = arith.mulf %add3A_209, %add3A_209 : vector<16xf32>
        %max3A = arith.constant 1.000000e-24 : f32
        %max3A_212 = vector.broadcast %max3A : f32 to vector<16xf32>
        %max3A_213 = arith.maximumf %scan3A_165#0, %max3A_212 : vector<16xf32>
        %bitcast3A = vector.bitcast %max3A_213 : vector<16xf32> to vector<16xi32>
        %shift_right_arithmetic3A = arith.constant 1 : i32
        %shift_right_arithmetic3A_214 = vector.broadcast %shift_right_arithmetic3A : i32 to vector<16xi32>
        %shift_right_arithmetic3A_215 = arith.shrsi %bitcast3A, %shift_right_arithmetic3A_214 : vector<16xi32>
        %sub3A = arith.constant 1597463007 : i32
        %sub3A_216 = vector.broadcast %sub3A : i32 to vector<16xi32>
        %sub3A_217 = arith.subi %sub3A_216, %shift_right_arithmetic3A_215 : vector<16xi32>
        %bitcast3A_218 = vector.bitcast %sub3A_217 : vector<16xi32> to vector<16xf32>
        %mul3A_219 = arith.constant 5.000000e-01 : f32
        %mul3A_220 = vector.broadcast %mul3A_219 : f32 to vector<16xf32>
        %mul3A_221 = arith.mulf %mul3A_220, %max3A_213 : vector<16xf32>
        %mul3A_222 = arith.mulf %mul3A_221, %bitcast3A_218 : vector<16xf32>
        %mul3A_223 = arith.mulf %mul3A_222, %bitcast3A_218 : vector<16xf32>
        %sub3A_224 = arith.constant 1.500000e+00 : f32
        %sub3A_225 = vector.broadcast %sub3A_224 : f32 to vector<16xf32>
        %sub3A_226 = arith.subf %sub3A_225, %mul3A_223 : vector<16xf32>
        %mul3A_227 = arith.mulf %bitcast3A_218, %sub3A_226 : vector<16xf32>
        %mul3A_228 = arith.constant 5.000000e-01 : f32
        %mul3A_229 = vector.broadcast %mul3A_228 : f32 to vector<16xf32>
        %mul3A_230 = arith.mulf %mul3A_229, %max3A_213 : vector<16xf32>
        %mul3A_231 = arith.mulf %mul3A_230, %mul3A_227 : vector<16xf32>
        %mul3A_232 = arith.mulf %mul3A_231, %mul3A_227 : vector<16xf32>
        %sub3A_233 = arith.constant 1.500000e+00 : f32
        %sub3A_234 = vector.broadcast %sub3A_233 : f32 to vector<16xf32>
        %sub3A_235 = arith.subf %sub3A_234, %mul3A_232 : vector<16xf32>
        %mul3A_236 = arith.mulf %mul3A_227, %sub3A_235 : vector<16xf32>
        %mul3A_237 = arith.constant 5.000000e-01 : f32
        %mul3A_238 = vector.broadcast %mul3A_237 : f32 to vector<16xf32>
        %mul3A_239 = arith.mulf %mul3A_238, %max3A_213 : vector<16xf32>
        %mul3A_240 = arith.mulf %mul3A_239, %mul3A_236 : vector<16xf32>
        %mul3A_241 = arith.mulf %mul3A_240, %mul3A_236 : vector<16xf32>
        %sub3A_242 = arith.constant 1.500000e+00 : f32
        %sub3A_243 = vector.broadcast %sub3A_242 : f32 to vector<16xf32>
        %sub3A_244 = arith.subf %sub3A_243, %mul3A_241 : vector<16xf32>
        %mul3A_245 = arith.mulf %mul3A_236, %sub3A_244 : vector<16xf32>
        %max3A_246 = arith.constant 1.000000e-24 : f32
        %max3A_247 = vector.broadcast %max3A_246 : f32 to vector<16xf32>
        %max3A_248 = arith.maximumf %scan3A_165#1, %max3A_247 : vector<16xf32>
        %bitcast3A_249 = vector.bitcast %max3A_248 : vector<16xf32> to vector<16xi32>
        %shift_right_arithmetic3A_250 = arith.constant 1 : i32
        %shift_right_arithmetic3A_251 = vector.broadcast %shift_right_arithmetic3A_250 : i32 to vector<16xi32>
        %shift_right_arithmetic3A_252 = arith.shrsi %bitcast3A_249, %shift_right_arithmetic3A_251 : vector<16xi32>
        %sub3A_253 = arith.constant 1597463007 : i32
        %sub3A_254 = vector.broadcast %sub3A_253 : i32 to vector<16xi32>
        %sub3A_255 = arith.subi %sub3A_254, %shift_right_arithmetic3A_252 : vector<16xi32>
        %bitcast3A_256 = vector.bitcast %sub3A_255 : vector<16xi32> to vector<16xf32>
        %mul3A_257 = arith.constant 5.000000e-01 : f32
        %mul3A_258 = vector.broadcast %mul3A_257 : f32 to vector<16xf32>
        %mul3A_259 = arith.mulf %mul3A_258, %max3A_248 : vector<16xf32>
        %mul3A_260 = arith.mulf %mul3A_259, %bitcast3A_256 : vector<16xf32>
        %mul3A_261 = arith.mulf %mul3A_260, %bitcast3A_256 : vector<16xf32>
        %sub3A_262 = arith.constant 1.500000e+00 : f32
        %sub3A_263 = vector.broadcast %sub3A_262 : f32 to vector<16xf32>
        %sub3A_264 = arith.subf %sub3A_263, %mul3A_261 : vector<16xf32>
        %mul3A_265 = arith.mulf %bitcast3A_256, %sub3A_264 : vector<16xf32>
        %mul3A_266 = arith.constant 5.000000e-01 : f32
        %mul3A_267 = vector.broadcast %mul3A_266 : f32 to vector<16xf32>
        %mul3A_268 = arith.mulf %mul3A_267, %max3A_248 : vector<16xf32>
        %mul3A_269 = arith.mulf %mul3A_268, %mul3A_265 : vector<16xf32>
        %mul3A_270 = arith.mulf %mul3A_269, %mul3A_265 : vector<16xf32>
        %sub3A_271 = arith.constant 1.500000e+00 : f32
        %sub3A_272 = vector.broadcast %sub3A_271 : f32 to vector<16xf32>
        %sub3A_273 = arith.subf %sub3A_272, %mul3A_270 : vector<16xf32>
        %mul3A_274 = arith.mulf %mul3A_265, %sub3A_273 : vector<16xf32>
        %mul3A_275 = arith.constant 5.000000e-01 : f32
        %mul3A_276 = vector.broadcast %mul3A_275 : f32 to vector<16xf32>
        %mul3A_277 = arith.mulf %mul3A_276, %max3A_248 : vector<16xf32>
        %mul3A_278 = arith.mulf %mul3A_277, %mul3A_274 : vector<16xf32>
        %mul3A_279 = arith.mulf %mul3A_278, %mul3A_274 : vector<16xf32>
        %sub3A_280 = arith.constant 1.500000e+00 : f32
        %sub3A_281 = vector.broadcast %sub3A_280 : f32 to vector<16xf32>
        %sub3A_282 = arith.subf %sub3A_281, %mul3A_279 : vector<16xf32>
        %mul3A_283 = arith.mulf %mul3A_274, %sub3A_282 : vector<16xf32>
        %mul3A_284 = arith.mulf %add3A_184, %add3A_209 : vector<16xf32>
        %mul3A_285 = arith.mulf %scan3A_165#2, %mul3A_245 : vector<16xf32>
        %mul3A_286 = arith.mulf %mul3A_285, %mul3A_283 : vector<16xf32>
        %mul3A_287 = arith.mulf %mul3A_284, %mul3A_286 : vector<16xf32>
        %mul3A_288 = arith.mulf %scan3A_165#0, %mul3A_245 : vector<16xf32>
        %mul3A_289 = arith.mulf %mul3A_288, %mul3A_245 : vector<16xf32>
        %mul3A_290 = arith.mulf %scan3A_165#1, %mul3A_283 : vector<16xf32>
        %mul3A_291 = arith.mulf %mul3A_290, %mul3A_283 : vector<16xf32>
        %mul3A_292 = arith.mulf %mul3A_210, %mul3A_289 : vector<16xf32>
        %mul3A_293 = arith.mulf %mul3A_211, %mul3A_291 : vector<16xf32>
        %add3A_294 = arith.addf %mul3A_292, %mul3A_293 : vector<16xf32>
        %mul3A_295 = arith.constant 2.000000e+00 : f32
        %mul3A_296 = vector.broadcast %mul3A_295 : f32 to vector<16xf32>
        %mul3A_297 = arith.mulf %mul3A_296, %mul3A_287 : vector<16xf32>
        %sub3A_298 = arith.subf %add3A_294, %mul3A_297 : vector<16xf32>
        %max3A_299 = arith.constant 0.000000e+00 : f32
        %max3A_300 = vector.broadcast %max3A_299 : f32 to vector<16xf32>
        %max3A_301 = arith.maximumf %sub3A_298, %max3A_300 : vector<16xf32>
        %max3A_302 = arith.constant 1.000000e-30 : f32
        %max3A_303 = vector.broadcast %max3A_302 : f32 to vector<16xf32>
        %max3A_304 = arith.maximumf %max3A_301, %max3A_303 : vector<16xf32>
        %bitcast3A_305 = vector.bitcast %max3A_304 : vector<16xf32> to vector<16xi32>
        %shift_right_arithmetic3A_306 = arith.constant 1 : i32
        %shift_right_arithmetic3A_307 = vector.broadcast %shift_right_arithmetic3A_306 : i32 to vector<16xi32>
        %shift_right_arithmetic3A_308 = arith.shrsi %bitcast3A_305, %shift_right_arithmetic3A_307 : vector<16xi32>
        %sub3A_309 = arith.constant 1597463007 : i32
        %sub3A_310 = vector.broadcast %sub3A_309 : i32 to vector<16xi32>
        %sub3A_311 = arith.subi %sub3A_310, %shift_right_arithmetic3A_308 : vector<16xi32>
        %bitcast3A_312 = vector.bitcast %sub3A_311 : vector<16xi32> to vector<16xf32>
        %mul3A_313 = arith.constant 5.000000e-01 : f32
        %mul3A_314 = vector.broadcast %mul3A_313 : f32 to vector<16xf32>
        %mul3A_315 = arith.mulf %mul3A_314, %max3A_304 : vector<16xf32>
        %mul3A_316 = arith.mulf %mul3A_315, %bitcast3A_312 : vector<16xf32>
        %mul3A_317 = arith.mulf %mul3A_316, %bitcast3A_312 : vector<16xf32>
        %sub3A_318 = arith.constant 1.500000e+00 : f32
        %sub3A_319 = vector.broadcast %sub3A_318 : f32 to vector<16xf32>
        %sub3A_320 = arith.subf %sub3A_319, %mul3A_317 : vector<16xf32>
        %mul3A_321 = arith.mulf %bitcast3A_312, %sub3A_320 : vector<16xf32>
        %mul3A_322 = arith.constant 5.000000e-01 : f32
        %mul3A_323 = vector.broadcast %mul3A_322 : f32 to vector<16xf32>
        %mul3A_324 = arith.mulf %mul3A_323, %max3A_304 : vector<16xf32>
        %mul3A_325 = arith.mulf %mul3A_324, %mul3A_321 : vector<16xf32>
        %mul3A_326 = arith.mulf %mul3A_325, %mul3A_321 : vector<16xf32>
        %sub3A_327 = arith.constant 1.500000e+00 : f32
        %sub3A_328 = vector.broadcast %sub3A_327 : f32 to vector<16xf32>
        %sub3A_329 = arith.subf %sub3A_328, %mul3A_326 : vector<16xf32>
        %mul3A_330 = arith.mulf %mul3A_321, %sub3A_329 : vector<16xf32>
        %mul3A_331 = arith.constant 5.000000e-01 : f32
        %mul3A_332 = vector.broadcast %mul3A_331 : f32 to vector<16xf32>
        %mul3A_333 = arith.mulf %mul3A_332, %max3A_304 : vector<16xf32>
        %mul3A_334 = arith.mulf %mul3A_333, %mul3A_330 : vector<16xf32>
        %mul3A_335 = arith.mulf %mul3A_334, %mul3A_330 : vector<16xf32>
        %sub3A_336 = arith.constant 1.500000e+00 : f32
        %sub3A_337 = vector.broadcast %sub3A_336 : f32 to vector<16xf32>
        %sub3A_338 = arith.subf %sub3A_337, %mul3A_335 : vector<16xf32>
        %mul3A_339 = arith.mulf %mul3A_330, %sub3A_338 : vector<16xf32>
        %mul3A_340 = arith.mulf %max3A_301, %mul3A_339 : vector<16xf32>
        %sub3A_341 = arith.constant 1.000000e+00 : f32
        %sub3A_342 = vector.broadcast %sub3A_341 : f32 to vector<16xf32>
        %sub3A_343 = arith.subf %sub3A_342, %mul3A_210 : vector<16xf32>
        %mul3A_344 = arith.constant 0.101010099 : f32
        %mul3A_345 = vector.broadcast %mul3A_344 : f32 to vector<16xf32>
        %mul3A_346 = arith.mulf %mul3A_345, %sub3A_343 : vector<16xf32>
        %div3A_347 = arith.divf %mul3A_346, %add3A_184 : vector<16xf32>
        %max3A_348 = arith.constant -1.000000e+00 : f32
        %max3A_349 = vector.broadcast %max3A_348 : f32 to vector<16xf32>
        %max3A_350 = arith.maximumf %div3A_347, %max3A_349 : vector<16xf32>
        %min3A = arith.constant 1.000000e+00 : f32
        %min3A_351 = vector.broadcast %min3A : f32 to vector<16xf32>
        %min3A_352 = arith.minimumf %max3A_350, %min3A_351 : vector<16xf32>
        %abs3A = math.absf %min3A_352 : vector<16xf32>
        %gt3A = arith.constant 5.000000e-01 : f32
        %gt3A_353 = vector.broadcast %gt3A : f32 to vector<16xf32>
        %gt3A_354 = arith.cmpf ogt, %abs3A, %gt3A_353 : vector<16xf32>
        %sub3A_355 = arith.constant 1.000000e+00 : f32
        %sub3A_356 = vector.broadcast %sub3A_355 : f32 to vector<16xf32>
        %sub3A_357 = arith.subf %sub3A_356, %abs3A : vector<16xf32>
        %mul3A_358 = arith.constant 5.000000e-01 : f32
        %mul3A_359 = vector.broadcast %mul3A_358 : f32 to vector<16xf32>
        %mul3A_360 = arith.mulf %mul3A_359, %sub3A_357 : vector<16xf32>
        %mul3A_361 = arith.mulf %abs3A, %abs3A : vector<16xf32>
        %select_n3A = arith.select %gt3A_354, %mul3A_360, %mul3A_361 : vector<16xi1>, vector<16xf32>
        %max3A_362 = arith.constant 1.000000e-30 : f32
        %max3A_363 = vector.broadcast %max3A_362 : f32 to vector<16xf32>
        %max3A_364 = arith.maximumf %mul3A_360, %max3A_363 : vector<16xf32>
        %bitcast3A_365 = vector.bitcast %max3A_364 : vector<16xf32> to vector<16xi32>
        %shift_right_arithmetic3A_366 = arith.constant 1 : i32
        %shift_right_arithmetic3A_367 = vector.broadcast %shift_right_arithmetic3A_366 : i32 to vector<16xi32>
        %shift_right_arithmetic3A_368 = arith.shrsi %bitcast3A_365, %shift_right_arithmetic3A_367 : vector<16xi32>
        %sub3A_369 = arith.constant 1597463007 : i32
        %sub3A_370 = vector.broadcast %sub3A_369 : i32 to vector<16xi32>
        %sub3A_371 = arith.subi %sub3A_370, %shift_right_arithmetic3A_368 : vector<16xi32>
        %bitcast3A_372 = vector.bitcast %sub3A_371 : vector<16xi32> to vector<16xf32>
        %mul3A_373 = arith.constant 5.000000e-01 : f32
        %mul3A_374 = vector.broadcast %mul3A_373 : f32 to vector<16xf32>
        %mul3A_375 = arith.mulf %mul3A_374, %max3A_364 : vector<16xf32>
        %mul3A_376 = arith.mulf %mul3A_375, %bitcast3A_372 : vector<16xf32>
        %mul3A_377 = arith.mulf %mul3A_376, %bitcast3A_372 : vector<16xf32>
        %sub3A_378 = arith.constant 1.500000e+00 : f32
        %sub3A_379 = vector.broadcast %sub3A_378 : f32 to vector<16xf32>
        %sub3A_380 = arith.subf %sub3A_379, %mul3A_377 : vector<16xf32>
        %mul3A_381 = arith.mulf %bitcast3A_372, %sub3A_380 : vector<16xf32>
        %mul3A_382 = arith.constant 5.000000e-01 : f32
        %mul3A_383 = vector.broadcast %mul3A_382 : f32 to vector<16xf32>
        %mul3A_384 = arith.mulf %mul3A_383, %max3A_364 : vector<16xf32>
        %mul3A_385 = arith.mulf %mul3A_384, %mul3A_381 : vector<16xf32>
        %mul3A_386 = arith.mulf %mul3A_385, %mul3A_381 : vector<16xf32>
        %sub3A_387 = arith.constant 1.500000e+00 : f32
        %sub3A_388 = vector.broadcast %sub3A_387 : f32 to vector<16xf32>
        %sub3A_389 = arith.subf %sub3A_388, %mul3A_386 : vector<16xf32>
        %mul3A_390 = arith.mulf %mul3A_381, %sub3A_389 : vector<16xf32>
        %mul3A_391 = arith.constant 5.000000e-01 : f32
        %mul3A_392 = vector.broadcast %mul3A_391 : f32 to vector<16xf32>
        %mul3A_393 = arith.mulf %mul3A_392, %max3A_364 : vector<16xf32>
        %mul3A_394 = arith.mulf %mul3A_393, %mul3A_390 : vector<16xf32>
        %mul3A_395 = arith.mulf %mul3A_394, %mul3A_390 : vector<16xf32>
        %sub3A_396 = arith.constant 1.500000e+00 : f32
        %sub3A_397 = vector.broadcast %sub3A_396 : f32 to vector<16xf32>
        %sub3A_398 = arith.subf %sub3A_397, %mul3A_395 : vector<16xf32>
        %mul3A_399 = arith.mulf %mul3A_390, %sub3A_398 : vector<16xf32>
        %mul3A_400 = arith.mulf %mul3A_360, %mul3A_399 : vector<16xf32>
        %select_n3A_401 = arith.select %gt3A_354, %mul3A_400, %abs3A : vector<16xi1>, vector<16xf32>
        %mul3A_402 = arith.constant 4.216320e-02 : f32
        %mul3A_403 = vector.broadcast %mul3A_402 : f32 to vector<16xf32>
        %mul3A_404 = arith.mulf %mul3A_403, %select_n3A : vector<16xf32>
        %add3A_405 = arith.constant 0.024181312 : f32
        %add3A_406 = vector.broadcast %add3A_405 : f32 to vector<16xf32>
        %add3A_407 = arith.addf %mul3A_404, %add3A_406 : vector<16xf32>
        %mul3A_408 = arith.mulf %add3A_407, %select_n3A : vector<16xf32>
        %add3A_409 = arith.constant 0.0454700254 : f32
        %add3A_410 = vector.broadcast %add3A_409 : f32 to vector<16xf32>
        %add3A_411 = arith.addf %mul3A_408, %add3A_410 : vector<16xf32>
        %mul3A_412 = arith.mulf %add3A_411, %select_n3A : vector<16xf32>
        %add3A_413 = arith.constant 0.0749530047 : f32
        %add3A_414 = vector.broadcast %add3A_413 : f32 to vector<16xf32>
        %add3A_415 = arith.addf %mul3A_412, %add3A_414 : vector<16xf32>
        %mul3A_416 = arith.mulf %add3A_415, %select_n3A : vector<16xf32>
        %add3A_417 = arith.constant 0.166667521 : f32
        %add3A_418 = vector.broadcast %add3A_417 : f32 to vector<16xf32>
        %add3A_419 = arith.addf %mul3A_416, %add3A_418 : vector<16xf32>
        %mul3A_420 = arith.mulf %select_n3A_401, %select_n3A : vector<16xf32>
        %mul3A_421 = arith.mulf %mul3A_420, %add3A_419 : vector<16xf32>
        %add3A_422 = arith.addf %select_n3A_401, %mul3A_421 : vector<16xf32>
        %mul3A_423 = arith.constant 2.000000e+00 : f32
        %mul3A_424 = vector.broadcast %mul3A_423 : f32 to vector<16xf32>
        %mul3A_425 = arith.mulf %mul3A_424, %add3A_422 : vector<16xf32>
        %sub3A_426 = arith.constant 1.57079637 : f32
        %sub3A_427 = vector.broadcast %sub3A_426 : f32 to vector<16xf32>
        %sub3A_428 = arith.subf %sub3A_427, %mul3A_425 : vector<16xf32>
        %select_n3A_429 = arith.select %gt3A_354, %sub3A_428, %add3A_422 : vector<16xi1>, vector<16xf32>
        %lt3A = arith.constant 0.000000e+00 : f32
        %lt3A_430 = vector.broadcast %lt3A : f32 to vector<16xf32>
        %lt3A_431 = arith.cmpf olt, %min3A_352, %lt3A_430 : vector<16xf32>
        %neg3A_432 = arith.constant 0.000000e+00 : f32
        %neg3A_433 = vector.broadcast %neg3A_432 : f32 to vector<16xf32>
        %neg3A_434 = arith.subf %neg3A_433, %select_n3A_429 : vector<16xf32>
        %select_n3A_435 = arith.select %lt3A_431, %neg3A_434, %select_n3A_429 : vector<16xi1>, vector<16xf32>
        %add3A_436 = arith.constant 1.000000e+00 : f32
        %add3A_437 = vector.broadcast %add3A_436 : f32 to vector<16xf32>
        %add3A_438 = arith.addf %add3A_437, %mul3A_210 : vector<16xf32>
        %mul3A_439 = arith.mulf %mul3A_287, %add3A_438 : vector<16xf32>
        %add3A_440 = arith.constant 1.000000e+00 : f32
        %add3A_441 = vector.broadcast %add3A_440 : f32 to vector<16xf32>
        %add3A_442 = arith.addf %add3A_441, %mul3A_211 : vector<16xf32>
        %mul3A_443 = arith.mulf %mul3A_210, %add3A_442 : vector<16xf32>
        %sub3A_444 = arith.subf %mul3A_439, %mul3A_443 : vector<16xf32>
        %mul3A_445 = arith.mulf %add3A_184, %mul3A_340 : vector<16xf32>
        %mul3A_446 = arith.mulf %mul3A_210, %mul3A_211 : vector<16xf32>
        %add3A_447 = arith.constant 1.000000e+00 : f32
        %add3A_448 = vector.broadcast %add3A_447 : f32 to vector<16xf32>
        %add3A_449 = arith.addf %add3A_448, %mul3A_446 : vector<16xf32>
        %mul3A_450 = arith.constant 2.000000e+00 : f32
        %mul3A_451 = vector.broadcast %mul3A_450 : f32 to vector<16xf32>
        %mul3A_452 = arith.mulf %mul3A_451, %mul3A_287 : vector<16xf32>
        %sub3A_453 = arith.subf %add3A_449, %mul3A_452 : vector<16xf32>
        %max3A_454 = arith.constant 0.000000e+00 : f32
        %max3A_455 = vector.broadcast %max3A_454 : f32 to vector<16xf32>
        %max3A_456 = arith.maximumf %sub3A_453, %max3A_455 : vector<16xf32>
        %max3A_457 = arith.constant 1.000000e-30 : f32
        %max3A_458 = vector.broadcast %max3A_457 : f32 to vector<16xf32>
        %max3A_459 = arith.maximumf %max3A_456, %max3A_458 : vector<16xf32>
        %bitcast3A_460 = vector.bitcast %max3A_459 : vector<16xf32> to vector<16xi32>
        %shift_right_arithmetic3A_461 = arith.constant 1 : i32
        %shift_right_arithmetic3A_462 = vector.broadcast %shift_right_arithmetic3A_461 : i32 to vector<16xi32>
        %shift_right_arithmetic3A_463 = arith.shrsi %bitcast3A_460, %shift_right_arithmetic3A_462 : vector<16xi32>
        %sub3A_464 = arith.constant 1597463007 : i32
        %sub3A_465 = vector.broadcast %sub3A_464 : i32 to vector<16xi32>
        %sub3A_466 = arith.subi %sub3A_465, %shift_right_arithmetic3A_463 : vector<16xi32>
        %bitcast3A_467 = vector.bitcast %sub3A_466 : vector<16xi32> to vector<16xf32>
        %mul3A_468 = arith.constant 5.000000e-01 : f32
        %mul3A_469 = vector.broadcast %mul3A_468 : f32 to vector<16xf32>
        %mul3A_470 = arith.mulf %mul3A_469, %max3A_459 : vector<16xf32>
        %mul3A_471 = arith.mulf %mul3A_470, %bitcast3A_467 : vector<16xf32>
        %mul3A_472 = arith.mulf %mul3A_471, %bitcast3A_467 : vector<16xf32>
        %sub3A_473 = arith.constant 1.500000e+00 : f32
        %sub3A_474 = vector.broadcast %sub3A_473 : f32 to vector<16xf32>
        %sub3A_475 = arith.subf %sub3A_474, %mul3A_472 : vector<16xf32>
        %mul3A_476 = arith.mulf %bitcast3A_467, %sub3A_475 : vector<16xf32>
        %mul3A_477 = arith.constant 5.000000e-01 : f32
        %mul3A_478 = vector.broadcast %mul3A_477 : f32 to vector<16xf32>
        %mul3A_479 = arith.mulf %mul3A_478, %max3A_459 : vector<16xf32>
        %mul3A_480 = arith.mulf %mul3A_479, %mul3A_476 : vector<16xf32>
        %mul3A_481 = arith.mulf %mul3A_480, %mul3A_476 : vector<16xf32>
        %sub3A_482 = arith.constant 1.500000e+00 : f32
        %sub3A_483 = vector.broadcast %sub3A_482 : f32 to vector<16xf32>
        %sub3A_484 = arith.subf %sub3A_483, %mul3A_481 : vector<16xf32>
        %mul3A_485 = arith.mulf %mul3A_476, %sub3A_484 : vector<16xf32>
        %mul3A_486 = arith.constant 5.000000e-01 : f32
        %mul3A_487 = vector.broadcast %mul3A_486 : f32 to vector<16xf32>
        %mul3A_488 = arith.mulf %mul3A_487, %max3A_459 : vector<16xf32>
        %mul3A_489 = arith.mulf %mul3A_488, %mul3A_485 : vector<16xf32>
        %mul3A_490 = arith.mulf %mul3A_489, %mul3A_485 : vector<16xf32>
        %sub3A_491 = arith.constant 1.500000e+00 : f32
        %sub3A_492 = vector.broadcast %sub3A_491 : f32 to vector<16xf32>
        %sub3A_493 = arith.subf %sub3A_492, %mul3A_490 : vector<16xf32>
        %mul3A_494 = arith.mulf %mul3A_485, %sub3A_493 : vector<16xf32>
        %mul3A_495 = arith.mulf %max3A_456, %mul3A_494 : vector<16xf32>
        %mul3A_496 = arith.mulf %mul3A_445, %mul3A_495 : vector<16xf32>
        %add3A_497 = arith.constant 1.000000e-22 : f32
        %add3A_498 = vector.broadcast %add3A_497 : f32 to vector<16xf32>
        %add3A_499 = arith.addf %mul3A_496, %add3A_498 : vector<16xf32>
        %div3A_500 = arith.divf %sub3A_444, %add3A_499 : vector<16xf32>
        %max3A_501 = arith.constant -1.000000e+00 : f32
        %max3A_502 = vector.broadcast %max3A_501 : f32 to vector<16xf32>
        %max3A_503 = arith.maximumf %div3A_500, %max3A_502 : vector<16xf32>
        %min3A_504 = arith.constant 1.000000e+00 : f32
        %min3A_505 = vector.broadcast %min3A_504 : f32 to vector<16xf32>
        %min3A_506 = arith.minimumf %max3A_503, %min3A_505 : vector<16xf32>
        %abs3A_507 = math.absf %min3A_506 : vector<16xf32>
        %gt3A_508 = arith.constant 5.000000e-01 : f32
        %gt3A_509 = vector.broadcast %gt3A_508 : f32 to vector<16xf32>
        %gt3A_510 = arith.cmpf ogt, %abs3A_507, %gt3A_509 : vector<16xf32>
        %sub3A_511 = arith.constant 1.000000e+00 : f32
        %sub3A_512 = vector.broadcast %sub3A_511 : f32 to vector<16xf32>
        %sub3A_513 = arith.subf %sub3A_512, %abs3A_507 : vector<16xf32>
        %mul3A_514 = arith.constant 5.000000e-01 : f32
        %mul3A_515 = vector.broadcast %mul3A_514 : f32 to vector<16xf32>
        %mul3A_516 = arith.mulf %mul3A_515, %sub3A_513 : vector<16xf32>
        %mul3A_517 = arith.mulf %abs3A_507, %abs3A_507 : vector<16xf32>
        %select_n3A_518 = arith.select %gt3A_510, %mul3A_516, %mul3A_517 : vector<16xi1>, vector<16xf32>
        %max3A_519 = arith.constant 1.000000e-30 : f32
        %max3A_520 = vector.broadcast %max3A_519 : f32 to vector<16xf32>
        %max3A_521 = arith.maximumf %mul3A_516, %max3A_520 : vector<16xf32>
        %bitcast3A_522 = vector.bitcast %max3A_521 : vector<16xf32> to vector<16xi32>
        %shift_right_arithmetic3A_523 = arith.constant 1 : i32
        %shift_right_arithmetic3A_524 = vector.broadcast %shift_right_arithmetic3A_523 : i32 to vector<16xi32>
        %shift_right_arithmetic3A_525 = arith.shrsi %bitcast3A_522, %shift_right_arithmetic3A_524 : vector<16xi32>
        %sub3A_526 = arith.constant 1597463007 : i32
        %sub3A_527 = vector.broadcast %sub3A_526 : i32 to vector<16xi32>
        %sub3A_528 = arith.subi %sub3A_527, %shift_right_arithmetic3A_525 : vector<16xi32>
        %bitcast3A_529 = vector.bitcast %sub3A_528 : vector<16xi32> to vector<16xf32>
        %mul3A_530 = arith.constant 5.000000e-01 : f32
        %mul3A_531 = vector.broadcast %mul3A_530 : f32 to vector<16xf32>
        %mul3A_532 = arith.mulf %mul3A_531, %max3A_521 : vector<16xf32>
        %mul3A_533 = arith.mulf %mul3A_532, %bitcast3A_529 : vector<16xf32>
        %mul3A_534 = arith.mulf %mul3A_533, %bitcast3A_529 : vector<16xf32>
        %sub3A_535 = arith.constant 1.500000e+00 : f32
        %sub3A_536 = vector.broadcast %sub3A_535 : f32 to vector<16xf32>
        %sub3A_537 = arith.subf %sub3A_536, %mul3A_534 : vector<16xf32>
        %mul3A_538 = arith.mulf %bitcast3A_529, %sub3A_537 : vector<16xf32>
        %mul3A_539 = arith.constant 5.000000e-01 : f32
        %mul3A_540 = vector.broadcast %mul3A_539 : f32 to vector<16xf32>
        %mul3A_541 = arith.mulf %mul3A_540, %max3A_521 : vector<16xf32>
        %mul3A_542 = arith.mulf %mul3A_541, %mul3A_538 : vector<16xf32>
        %mul3A_543 = arith.mulf %mul3A_542, %mul3A_538 : vector<16xf32>
        %sub3A_544 = arith.constant 1.500000e+00 : f32
        %sub3A_545 = vector.broadcast %sub3A_544 : f32 to vector<16xf32>
        %sub3A_546 = arith.subf %sub3A_545, %mul3A_543 : vector<16xf32>
        %mul3A_547 = arith.mulf %mul3A_538, %sub3A_546 : vector<16xf32>
        %mul3A_548 = arith.constant 5.000000e-01 : f32
        %mul3A_549 = vector.broadcast %mul3A_548 : f32 to vector<16xf32>
        %mul3A_550 = arith.mulf %mul3A_549, %max3A_521 : vector<16xf32>
        %mul3A_551 = arith.mulf %mul3A_550, %mul3A_547 : vector<16xf32>
        %mul3A_552 = arith.mulf %mul3A_551, %mul3A_547 : vector<16xf32>
        %sub3A_553 = arith.constant 1.500000e+00 : f32
        %sub3A_554 = vector.broadcast %sub3A_553 : f32 to vector<16xf32>
        %sub3A_555 = arith.subf %sub3A_554, %mul3A_552 : vector<16xf32>
        %mul3A_556 = arith.mulf %mul3A_547, %sub3A_555 : vector<16xf32>
        %mul3A_557 = arith.mulf %mul3A_516, %mul3A_556 : vector<16xf32>
        %select_n3A_558 = arith.select %gt3A_510, %mul3A_557, %abs3A_507 : vector<16xi1>, vector<16xf32>
        %mul3A_559 = arith.constant 4.216320e-02 : f32
        %mul3A_560 = vector.broadcast %mul3A_559 : f32 to vector<16xf32>
        %mul3A_561 = arith.mulf %mul3A_560, %select_n3A_518 : vector<16xf32>
        %add3A_562 = arith.constant 0.024181312 : f32
        %add3A_563 = vector.broadcast %add3A_562 : f32 to vector<16xf32>
        %add3A_564 = arith.addf %mul3A_561, %add3A_563 : vector<16xf32>
        %mul3A_565 = arith.mulf %add3A_564, %select_n3A_518 : vector<16xf32>
        %add3A_566 = arith.constant 0.0454700254 : f32
        %add3A_567 = vector.broadcast %add3A_566 : f32 to vector<16xf32>
        %add3A_568 = arith.addf %mul3A_565, %add3A_567 : vector<16xf32>
        %mul3A_569 = arith.mulf %add3A_568, %select_n3A_518 : vector<16xf32>
        %add3A_570 = arith.constant 0.0749530047 : f32
        %add3A_571 = vector.broadcast %add3A_570 : f32 to vector<16xf32>
        %add3A_572 = arith.addf %mul3A_569, %add3A_571 : vector<16xf32>
        %mul3A_573 = arith.mulf %add3A_572, %select_n3A_518 : vector<16xf32>
        %add3A_574 = arith.constant 0.166667521 : f32
        %add3A_575 = vector.broadcast %add3A_574 : f32 to vector<16xf32>
        %add3A_576 = arith.addf %mul3A_573, %add3A_575 : vector<16xf32>
        %mul3A_577 = arith.mulf %select_n3A_558, %select_n3A_518 : vector<16xf32>
        %mul3A_578 = arith.mulf %mul3A_577, %add3A_576 : vector<16xf32>
        %add3A_579 = arith.addf %select_n3A_558, %mul3A_578 : vector<16xf32>
        %mul3A_580 = arith.constant 2.000000e+00 : f32
        %mul3A_581 = vector.broadcast %mul3A_580 : f32 to vector<16xf32>
        %mul3A_582 = arith.mulf %mul3A_581, %add3A_579 : vector<16xf32>
        %sub3A_583 = arith.constant 1.57079637 : f32
        %sub3A_584 = vector.broadcast %sub3A_583 : f32 to vector<16xf32>
        %sub3A_585 = arith.subf %sub3A_584, %mul3A_582 : vector<16xf32>
        %select_n3A_586 = arith.select %gt3A_510, %sub3A_585, %add3A_579 : vector<16xi1>, vector<16xf32>
        %lt3A_587 = arith.constant 0.000000e+00 : f32
        %lt3A_588 = vector.broadcast %lt3A_587 : f32 to vector<16xf32>
        %lt3A_589 = arith.cmpf olt, %min3A_506, %lt3A_588 : vector<16xf32>
        %neg3A_590 = arith.constant 0.000000e+00 : f32
        %neg3A_591 = vector.broadcast %neg3A_590 : f32 to vector<16xf32>
        %neg3A_592 = arith.subf %neg3A_591, %select_n3A_586 : vector<16xf32>
        %select_n3A_593 = arith.select %lt3A_589, %neg3A_592, %select_n3A_586 : vector<16xi1>, vector<16xf32>
        %add3A_594 = arith.addf %select_n3A_435, %select_n3A_593 : vector<16xf32>
        %sub3A_595 = arith.constant 1.57079637 : f32
        %sub3A_596 = vector.broadcast %sub3A_595 : f32 to vector<16xf32>
        %sub3A_597 = arith.subf %add3A_594, %sub3A_596 : vector<16xf32>
        %min3A_598 = arith.constant 0.000000e+00 : f32
        %min3A_599 = vector.broadcast %min3A_598 : f32 to vector<16xf32>
        %min3A_600 = arith.minimumf %sub3A_597, %min3A_599 : vector<16xf32>
        %add3A_601 = vector.broadcast %add3A_159 : i32 to vector<16xi32>
        %add3A_602 = arith.addi %add3A_601, %iota3A : vector<16xi32>
        tpu.vector_store_idx %arg9[%add3A_602], %min3A_600 : memref<512xf32, #tpu.memory_space<vmem>>[vector<16xi32>], vector<16xf32>,
      }
      %scan3A_146 = arith.constant 8 : i32
    }
    %scan3A_101 = arith.constant 4 : i32
    %mul3A_102 = arith.constant 512 : i32
    %mul3A_103 = arith.muli %add3A, %mul3A_102 : i32
    "tpu.region"() ({
      %run_scoped3A = tpu.sem_alloc : memref<!tpu.dma_semaphore, #tpu.memory_space<semaphore_mem>>
      %dma_start3A_104 = tpu.memref_slice %arg5[%mul3A_103] : memref<16384xf32, #tpu.memory_space<hbm>> -> memref<512xf32, #tpu.memory_space<hbm>>
      %dma_start3A_105 = tpu.memref_slice %arg5[%mul3A_103] : memref<16384xf32, #tpu.memory_space<hbm>> -> memref<512xf32, #tpu.memory_space<hbm>>
      tpu.enqueue_dma source(%arg9 : memref<512xf32, #tpu.memory_space<vmem>>) target(%dma_start3A_105 : memref<512xf32, #tpu.memory_space<hbm>>) target_semaphore(%run_scoped3A : memref<!tpu.dma_semaphore, #tpu.memory_space<semaphore_mem>>)
      %dma_wait3A_106 = tpu.memref_slice %arg5[%mul3A_103] : memref<16384xf32, #tpu.memory_space<hbm>> -> memref<512xf32, #tpu.memory_space<hbm>>
      %dma_wait3A_107 = tpu.memref_slice %arg5[%mul3A_103] : memref<16384xf32, #tpu.memory_space<hbm>> -> memref<512xf32, #tpu.memory_space<hbm>>
      tpu.wait_dma2 semaphore(%run_scoped3A : memref<!tpu.dma_semaphore, #tpu.memory_space<semaphore_mem>>) src(%arg9 : memref<512xf32, #tpu.memory_space<vmem>>) dst(%dma_wait3A_107 : memref<512xf32, #tpu.memory_space<hbm>>)
      tpu.yield
    }) : () -> ()
    return
  }
}

module attributes {stable_mosaic.version = 14 : i64} {
  func.func @_transpose_body(%arg0: i32, %arg1: memref<64x8192xf32, #tpu.memory_space<vmem>>, %arg2: memref<8192x128xf32, #tpu.memory_space<vmem>>) attributes {dimension_semantics = [#tpu.dimension_semantics<arbitrary>], iteration_bounds = array<i64: 123>, scalar_prefetch = 0 : i64, scratch_operands = 0 : i64, tpu.core_type = #tpu.core_type<tc>, window_params = [{transform_indices = @transform_0, window_bounds = array<i64: 64, 8192>}, {transform_indices = @transform_1, window_bounds = array<i64: 8192, 128>}]} {
    %iota3A = tpu.iota {dimensions = array<i32: 0>} : vector<128x64xi32>
    %iota3A_0 = tpu.iota {dimensions = array<i32: 1>} : vector<128x64xi32>
    %jit3A = arith.constant 64 : i32
    %eq3A = arith.constant 0 : i32
    %eq3A_1 = arith.cmpi eq, %jit3A, %eq3A : i32
    %jit3A_2 = arith.constant 1 : i32
    %select_n3A = arith.select %eq3A_1, %jit3A_2, %jit3A : i32
    %rem3A = vector.broadcast %select_n3A : i32 to vector<128x64xi32>
    %rem3A_3 = arith.remsi %iota3A, %rem3A : vector<128x64xi32>
    %ne3A = arith.constant 0 : i32
    %ne3A_4 = vector.broadcast %ne3A : i32 to vector<128x64xi32>
    %ne3A_5 = arith.cmpi ne, %rem3A_3, %ne3A_4 : vector<128x64xi32>
    %lt3A = arith.constant 0 : i32
    %lt3A_6 = vector.broadcast %lt3A : i32 to vector<128x64xi32>
    %lt3A_7 = arith.cmpi slt, %rem3A_3, %lt3A_6 : vector<128x64xi32>
    %lt3A_8 = arith.constant 0 : i32
    %lt3A_9 = arith.cmpi slt, %select_n3A, %lt3A_8 : i32
    %ne3A_10 = vector.broadcast %lt3A_9 : i1 to vector<128x64xi1>
    %ne3A_11 = vector.broadcast %ne3A_10 : vector<128x64xi1> to vector<128x64xi1>
    %ne3A_12 = arith.xori %lt3A_7, %ne3A_11 : vector<128x64xi1>
    %and3A = arith.andi %ne3A_12, %ne3A_5 : vector<128x64xi1>
    %add3A = vector.broadcast %select_n3A : i32 to vector<128x64xi32>
    %add3A_13 = arith.addi %rem3A_3, %add3A : vector<128x64xi32>
    %select_n3A_14 = arith.select %and3A, %add3A_13, %rem3A_3 : vector<128x64xi1>, vector<128x64xi32>
    %eq3A_15 = arith.cmpi eq, %select_n3A_14, %iota3A_0 : vector<128x64xi32>
    %jit3A_16 = arith.constant 1.000000e+00 : f32
    %jit3A_17 = arith.constant 0.000000e+00 : f32
    %broadcast_in_dim3A = vector.broadcast %jit3A_16 : f32 to vector<128x64xf32>
    %broadcast_in_dim3A_18 = vector.broadcast %jit3A_17 : f32 to vector<128x64xf32>
    %select_n3A_19 = arith.select %eq3A_15, %broadcast_in_dim3A, %broadcast_in_dim3A_18 : vector<128x64xi1>, vector<128x64xf32>
    %convert_element_type3A = arith.truncf %select_n3A_19 : vector<128x64xf32> to vector<128x64xbf16>
    %get3A = arith.constant 0 : index
    %get3A_20 = arith.constant 0 : index
    %get3A_21 = vector.load %arg1[%get3A, %get3A_20] : memref<64x8192xf32, #tpu.memory_space<vmem>>, vector<64x8192xf32>
    %convert_element_type3A_22 = arith.truncf %get3A_21 : vector<64x8192xf32> to vector<64x8192xbf16>
    %convert_element_type3A_23 = arith.extf %convert_element_type3A_22 : vector<64x8192xbf16> to vector<64x8192xf32>
    %sub3A = arith.subf %get3A_21, %convert_element_type3A_23 : vector<64x8192xf32>
    %convert_element_type3A_24 = arith.truncf %sub3A : vector<64x8192xf32> to vector<64x8192xbf16>
    %concatenate3A = tpu.concatenate %convert_element_type3A_22, %convert_element_type3A_24 in 0 : vector<64x8192xbf16>, vector<64x8192xbf16> -> vector<128x8192xbf16>
    %dot_general3A = arith.constant dense<0.000000e+00> : vector<8192x64xf32>
    %dot_general3A_25 = tpu.matmul %concatenate3A, %convert_element_type3A, %dot_general3A {dimension_numbers = #tpu.dot_dimension_numbers<[0], [0], [1], [1], [0, 1, 1, 1], [], []>, transpose_lhs_hint = false} : vector<128x8192xbf16>, vector<128x64xbf16>, vector<8192x64xf32> -> vector<8192x64xf32>
    %swap3A = arith.constant 0 : index
    %swap3A_26 = arith.constant 0 : index
    %swap3A_27 = vector.load %arg2[%swap3A, %swap3A_26] : memref<8192x128xf32, #tpu.memory_space<vmem>>, vector<8192x64xf32>
    tpu.vector_store %arg2[%swap3A, %swap3A_26], %dot_general3A_25 {strides = array<i32>} : memref<8192x128xf32, #tpu.memory_space<vmem>>, vector<8192x64xf32>,
    return
  }
  func.func @transform_0(%arg0: i32) -> (i32, i32) {
    %c0_i32 = arith.constant 0 : i32
    %c0_i32_0 = arith.constant 0 : i32
    return %c0_i32, %arg0 : i32, i32
  }
  func.func @transform_1(%arg0: i32) -> (i32, i32) {
    %c0_i32 = arith.constant 0 : i32
    %c0_i32_0 = arith.constant 0 : i32
    return %arg0, %c0_i32 : i32, i32
  }
}

</mosaic_0001>

<sc_bundles>
// kernel: kernel.4.cloned.1.call-start
scs
__scs_entry_jumppad:
0x0: {  	(pc) =	sbr.rel $0x88, $3  }
0x1: {  	(tag) =	ssettag $0x0;
	lr =	simm.s32 $0x1  }
0x2: {  	[smem:$0x3F9E] =	sst lr;
	_ =	strace $0xD0000000  }
0x3: {  	_ = 	snop  }
0x4: {  	_ = 	snop  }
0x5: {  	_ = 	snop  }
0x6: {  	_ = 	snop  }
0x7: {  	_ = 	snop  }
__scs_overlays_trampoline_lowered:
0x8: {  	[smem:$0x3FAD] =	sst s0  }
0x9: {  	[smem:$0x3FAE] =	sst s1  }
0xa: {  	[smem:$0x3FAF] =	sst s2  }
0xb: {  	[smem:$0x3FB0] =	sst s3  }
0xc: {  	[smem:$0x3FB1] =	sst s4  }
0xd: {  	[smem:$0x3FB2] =	sst s5  }
0xe: {  	[smem:$0x3FB3] =	sst s6  }
0xf: {  	[smem:$0x3FB4] =	sst s7  }
0x10: {  	[smem:$0x3FB5] =	sst s8  }
0x11: {  	[smem:$0x3FB6] =	sst s9;
	s0 =	simm.s32 @!p0 $0x0  }
0x12: {  	s1 =	sld [smem:$0x3F9C];
	s0 =	simm.s32 @p0 $0x1  }
0x13: {  	[smem:$0x3FB7] =	sst s0;
	s0 =	simm.s32 @!p1 $0x0  }
0x14: {  	s2 =	sld [smem:$0x3F9B];
	s0 =	simm.s32 @p1 $0x1  }
0x15: {  	[smem:$0x3FB8] =	sst s0;
	s0 =	simm.s32 @!p2 $0x0  }
0x16: {  	s3 =	sld [smem:$0x3FDB];
	s0 =	simm.s32 @p2 $0x1  }
0x17: {  	s4 =	simm.s32 $0x1BF5;
	[smem:$0x3FBA] =	sst s0  }
0x18: {  	s0 =	sld [smem:$0x3F9D];
	_ =	swait.ge [sflag:s4], $0x0  }
0x19: {  	s7 =	sld [smem:$0x3F9E]  }
0x1a: {  	s8 =	sadd.s32 $0xFFFFE003, lr  }
0x1b: {  	s9 =	sadd.s32 $0xFFFFFEF7, lr;
	s5 =	simm.s32 $0xFFFFFFFF;
	p2 =	slt.u32 s8, $0xFFFFF086  }
0x1c: {  	p1 =	slt.u32 s9, $0xF7A;
	s5 =	simm.s32 @!p2 $0x0  }
0x1d: {  	s5 =	simm.s32 @p1 $0x1;
	p0 =	seq.s32 s7, s2  }
0x1e: {  	s7 =	smul.u32 @!p0 $0xF7A, s2;
	p2 =	seq.s32 @!p0 s5, $0x0  }
0x1f: {  	s9 =	smul.u32 $0xF7A, s1;
	s8 =	simm.s32 @!p0 $0x1BF5;
	p2 =	por !p2, p0  }
0x20: {  	[sflag:s8] =	ssyncset.s32 @!p0 $0xFFFFF086;
	s6 =	sadd.s32 @!p0 s3, s7;
	s7 =	simm.s32 @!p0 $0x108  }
0x21: {  	s3 =	sadd.s32 s3, s9;
	s6 =	sadd.s32 @!p0 $0x88, s6;
	s7 =	simm.s32 @p2 $0x1082  }
0x22: {  	[simem:s7], [sflag:s8] =	dma.local @!p0 [hbm:s6], $0xF7A  }
0x23: {  	s9 =	sor.u32 $0xD0000000, s2;
	s6 =	simm.s32 $0x108;
	_ =	swait.ge @!p0 [sflag:s8], $0x0  }
0x24: {  	s3 =	sadd.s32 $0x88, s3;
	s6 =	simm.s32 @!p1 $0x1082;
	[sflag:s4] =	ssyncset.s32 $0xFFFFF086  }
0x25: {  	[simem:s6], [sflag:s4] =	dma.local [hbm:s3], $0xF7A  }
0x26: {  	[smem:$0x3F9E] =	sst s1;
	(tag) =	ssettag s2;
	_ =	strace s9  }
0x27: {  	s1 =	sld [smem:$0x3FAE]  }
0x28: {  	s2 =	sld [smem:$0x3FAF]  }
0x29: {  	s4 =	sld [smem:$0x3FB1]  }
0x2a: {  	p0 =	seq.s32 s5, $0x0;
	s5 =	sld [smem:$0x3FB2]  }
0x2b: {  	s6 =	sld [smem:$0x3FB3]  }
0x2c: {  	s7 =	sld [smem:$0x3FB4]  }
0x2d: {  	s3 =	simm.s32 $0x108;
	s8 =	sld [smem:$0x3FB5]  }
0x2e: {  	s3 =	simm.s32 @!p0 $0x1082;
	s9 =	sld [smem:$0x3FB6]  }
0x2f: {  	lr =	sadd.s32 s0, s3;
	s0 =	sld [smem:$0x3FAD]  }
0x30: {  	s3 =	sld [smem:$0x3FB0]  }
0x31: {  	[smem:$0x3FB9] =	sst s10  }
0x32: {  	s10 =	sld [smem:$0x3FB7];
	_ =	sdelay $0x3  }
0x33: {  	p0 =	seq.s32 s10, $0x1;
	s10 =	sld [smem:$0x3FB9];
	_ =	sdelay $0x3  }
0x34: {  	[smem:$0x3FB9] =	sst s10  }
0x35: {  	s10 =	sld [smem:$0x3FB8];
	_ =	sdelay $0x3  }
0x36: {  	p1 =	seq.s32 s10, $0x1;
	s10 =	sld [smem:$0x3FB9];
	_ =	sdelay $0x3  }
0x37: {  	[smem:$0x3FB9] =	sst s10  }
0x38: {  	s10 =	sld [smem:$0x3FBA]  }
0x39: {  	_ = 	snop;
	(pc) =	sbr.ind lr, $3  }
0x3a: {  	_ = 	snop  }
0x3b: {  	_ = 	snop  }
0x3c: {  	p2 =	seq.s32 s10, $0x1;
	s10 =	sld [smem:$0x3FB9]  }
0x3d: {  	_ =	shalt  }
0x3e: {  	_ =	shalt  }
0x3f: {  	_ =	shalt  }
0x40: {  	_ =	shalt  }
0x41: {  	_ =	shalt  }
0x42: {  	_ =	shalt  }
0x43: {  	_ =	shalt  }
0x44: {  	_ =	shalt  }
0x45: {  	_ =	shalt  }
0x46: {  	_ =	shalt  }
0x47: {  	_ =	shalt  }
0x48: {  	_ =	shalt  }
0x49: {  	_ =	shalt  }
0x4a: {  	_ =	shalt  }
0x4b: {  	_ =	shalt  }
0x4c: {  	_ =	shalt  }
0x4d: {  	_ =	shalt  }
0x4e: {  	_ =	shalt  }
0x4f: {  	_ =	shalt  }
0x50: {  	_ =	shalt  }
0x51: {  	_ =	shalt  }
0x52: {  	_ =	shalt  }
0x53: {  	_ =	shalt  }
0x54: {  	_ =	shalt  }
0x55: {  	_ =	shalt  }
0x56: {  	_ =	shalt  }
0x57: {  	_ =	shalt  }
0x58: {  	_ =	shalt  }
0x59: {  	_ =	shalt  }
0x5a: {  	_ =	shalt  }
0x5b: {  	_ =	shalt  }
0x5c: {  	_ =	shalt  }
0x5d: {  	_ =	shalt  }
0x5e: {  	_ =	shalt  }
0x5f: {  	_ =	shalt  }
0x60: {  	_ =	shalt  }
0x61: {  	_ =	shalt  }
0x62: {  	_ =	shalt  }
0x63: {  	_ =	shalt  }
0x64: {  	_ =	shalt  }
0x65: {  	_ =	shalt  }
0x66: {  	_ =	shalt  }
0x67: {  	_ =	shalt  }
0x68: {  	_ =	shalt  }
0x69: {  	_ =	shalt  }
0x6a: {  	_ =	shalt  }
0x6b: {  	_ =	shalt  }
0x6c: {  	_ =	shalt  }
0x6d: {  	_ =	shalt  }
0x6e: {  	_ =	shalt  }
0x6f: {  	_ =	shalt  }
0x70: {  	_ =	shalt  }
0x71: {  	_ =	shalt  }
0x72: {  	_ =	shalt  }
0x73: {  	_ =	shalt  }
0x74: {  	_ =	shalt  }
0x75: {  	_ =	shalt  }
0x76: {  	_ =	shalt  }
0x77: {  	_ =	shalt  }
0x78: {  	_ =	shalt  }
0x79: {  	_ =	shalt  }
0x7a: {  	_ =	shalt  }
0x7b: {  	_ =	shalt  }
0x7c: {  	_ =	shalt  }
0x7d: {  	_ =	shalt  }
0x7e: {  	_ =	shalt  }
0x7f: {  	_ =	shalt  }
0x80: {  	_ =	shalt  }
0x81: {  	_ =	shalt  }
0x82: {  	_ =	shalt  }
0x83: {  	_ =	shalt  }
0x84: {  	_ =	shalt  }
0x85: {  	_ =	shalt  }
0x86: {  	_ =	shalt  }
0x87: {  	_ =	shalt  }
.Lfunc_end0:
.L_simem_size_0:
called_computation_lowered:
.L_overlay_start_0:
0x88: {  	s2 =	sld [smem:$0x3FD9]  }
0x89: {  	s3 =	sld [smem:$0x3FFE];
	_ =	sdelay $0x1  }
0x8a: {  	s1 =	srdreg.scid  }
0x8b: {  	s0 =	sand.u32 $0x1, s1  }
0x8c: {  	s17 =	sshll.u32 s0, $0xA;
	s2 =	sadd.s32 s3, s2  }
0x8d: {  	s2 =	sadd.s32 s2, s17  }
0x8e: {  	[smem:$0x3FC5] =	sst s2  }
0x8f: {  	_ = 	snop  }
0x90: {  	s2 =	sld [smem:$0x3FC7]  }
0x91: {  	s18 =	sld [smem:$0x3FD0];
	(tm) =	ssettm $0x1  }
0x92: {  	s4 =	sld [smem:$0x3FFB];
	_ =	sdelay $0x3  }
0x93: {  	_ =	strace s4  }
0x94: {  	s4 =	sld [smem:$0x3FFC];
	_ =	sdelay $0x3  }
0x95: {  	_ =	strace s4  }
0x96: {  	s4 =	sld [smem:$0x3FFD];
	_ =	sdelay $0x3  }
0x97: {  	_ =	strace s4  }
0x98: {  	_ =	strace $0x8FFFFFFF  }
0x99: {  	s19 =	sld [smem:$0x3FDB];
	_ =	sdelay $0x1  }
0x9a: {  	s5 =	simm.s32 $_scs_section_size  }
0x9b: {  	s6 =	simm.s32 $_size__tile_overlayer_lowered;
	s7 =	simm.s32 $_tile_overlayer_lowered  }
0x9c: {  	s22 =	simm.s32 $0x1BFF;
	s21 =	sshll.u32 s7, $0x1;
	s4 =	sadd.s32 s5, s19  }
0x9d: {  	s8 =	simm.s32 $0x0;
	s20 =	sshll.u32 s6, $0x1;
	s6 =	sadd.s32 s21, s4  }
0x9e: {  	[timem:s8], [sflag:s22] =	dma.local [hbm:s6], s20  }
0x9f: {  	_ =	swait.ge [sflag:s22], s20  }
0xa0: {  	s5 =	ssub.s32 $0x0, s20;
	[sflag:s22] =	ssyncset.done $0x0  }
0xa1: {  	[sflag:s22] =	ssyncadd.s32 s5;
	_ =	sdelay $0x1  }
0xa2: {  	s23 =	simm.s32 $0x1B8B  }
0xa3: {  	_ =	swait.ge [sflag:s23], $0x1  }
0xa4: {  	[sflag:s23] =	ssyncset.done $0x0  }
0xa5: {  	s25 =	simm.s32 $0x1B8E;
	s24 =	sld [smem:$0x3FFE];
	[sflag:s23] =	ssyncadd.s32 $0xFFFFFFFF  }
0xa6: {  	s26 =	simm.s32 $execute0_lowered;
	[smem:$0x3FD2] =	sst s25  }
0xa7: {  	s6 =	sshll.u32 s26, $0x1;
	_ =	strace $0x80000046;
	[dreg:$0x1] =	wrdreg $0xFFFFFFFF  }
0xa8: {  	s28 =	simm.s32 $_size_execute0_lowered;
	s4 =	sadd.s32 s4, s6;
	[dreg:$0x0] =	wrdreg $0x0  }
0xa9: {  	s6 =	sshll.u32 s28, $0x1;
	[dreg:$0x2] =	wrdreg s4  }
0xaa: {  	[dreg:$0x3] =	wrdreg s6  }
0xab: {  	[dreg:$0x4] =	wrdreg $0xC0  }
0xac: {  	_ =	task [dreg:s8], $0x5FFFF  }
0xad: {  	[dreg:$0x1] =	wrdreg $0xFFFFFFFF  }
0xae: {  	[dreg:$0x0] =	wrdreg $0x60  }
0xaf: {  	[dreg:$0x2] =	wrdreg s24  }
0xb0: {  	[dreg:$0x3] =	wrdreg s2  }
0xb1: {  	[dreg:$0x4] =	wrdreg s18  }
0xb2: {  	[dreg:$0x5] =	wrdreg $0x9  }
0xb3: {  	_ =	task.clear_ibuf [dreg:s8], $0x6FFFF;
	_ =	strace $0x90000046  }
0xb4: {  	s29 =	simm.s32 $0x9;
	_ =	strace $0x80000048  }
0xb5: {  	_ =	swait.ge [sflag:s29], $0x1  }
0xb6: {  	[sflag:s29] =	ssyncadd.s32 $0xFFFFFFFF  }
0xb7: {  	_ =	strace $0x90000048  }
0xb8: {  	_ =	sfence  }
0xb9: {  	s30 =	sld [smem:$0x0];
	_ =	sdelay $0x2  }
0xba: {  	s31 =	sshll.u32 s1, $0xD;
	s1 =	sshrl.u32 s1, $0x2  }
0xbb: {  	s3 =	sand.u32 $0x4000, s31;
	s1 =	sadd.s32 s1, s30  }
0xbc: {  	s0 =	sor.u32 s3, s0;
	s1 =	sshll.u32 s1, $0x11  }
0xbd: {  	s0 =	sor.u32 s1, s0  }
0xbe: {  	s0 =	sadd.s32 $0x8F2B, s0  }
0xbf: {  	[sflag:s0] =	ssyncadd.remote.s32 $0x1  }
0xc0: {  	_ =	sfence.sel $0xFFFF  }
0xc1: {  	[dreg:$0x0] =	wrdreg $0xFFFFFFFF;
	(pc) =	sbr.abs _section_cstart, $3  }
0xc2: {  	[dreg:$0x1] =	wrdreg $0xFFFFFFFF  }
0xc3: {  	_ =	task.clear_ibuf [dreg:s8], $0x2FFFF;
	_ =	strace $0x9FFFFFFF  }
0xc4: {  	(tm) =	ssettm $0x7FFFFFFF  }
0xc5: {  	_ =	shalt  }
tec
execute0_lowered:
.L_overlay_start_1:
0x0: {  	(tag) =	ssettag $0x1  }
0x1: {  	s0 =	rddreg [dreg:$0x0]  }
0x2: {  	s2 =	rddreg [dreg:$0x1]  }
0x3: {  	s1 =	rddreg [dreg:$0x2]  }
0x4: {  	s4 =	srdreg.scid;
	s5 =	stileid.u32;
	s3 =	simm.s32 $0x0  }
0x5: {  	s8 =	simm.s32 $0x3;
	s9 =	simm.s32 $0x80;
	s10 =	simm.s32 $0x8400  }
0x6: {  	s15 =	simm.s32 $0x8580;
	s16 =	simm.s32 $0x200;
	s17 =	simm.s32 $0x8600  }
0x7: {  	s18 =	simm.s32 $0x280;
	s19 =	simm.s32 $0x8680;
	s20 =	simm.s32 $0x300  }
0x8: {  	s21 =	simm.s32 $0x8700;
	s22 =	simm.s32 $0x380;
	s23 =	simm.s32 $0x8780  }
0x9: {  	s24 =	simm.s32 $0x2;
	s25 =	simm.s32 $0x400;
	s26 =	simm.s32 $0x4400  }
0xa: {  	s28 =	simm.s32 $0x1;
	s29 =	simm.s32 $0x8800;
	s30 =	simm.s32 $0x0  }
0xb: {  	s4 =	sand.u32 $0x1, s4;
	s5 =	sshll.u32 s5, $0x1;
	[smem:$0x7FF] =	sst s3  }
0xc: {  	v0 =	vlaneseq.u32;
	s6 =	sor.u32 s4, s5;
	_ =	strace $0x80000047;
	s7 =	ssub.s32 $0x2, s4  }
0xd: {  	v1 =	vmul.u32 $0x100, v0;
	s4 =	sadd.s32 $0x1400, s0;
	s5 =	sshll.u32 s6, $0x7;
	s31 =	sshrl.u32 s7, $0x1  }
0xe: {  	s6 =	sshll.u32 s6, $0x6;
	s5 =	sadd.s32 s5, s0;
	s0 =	ssub.s32 s7, s31  }
0xf: {  	v2 =	vor.u32 $0x80, v1;
	s6 =	sadd.s32 s1, s6;
	s5 =	sadd.s32 $0x400, s5;
	s7 =	smax.u32 s0, $0x1  }
.LBB2_1:
0x10: {  	[tilespmem:s3], [sflag:$0x3] =	stream.linear.gather [hbm4b:s5+s3], $0x400, $0x38;
	[tilespmem:$0x8A00] =	vst v63  }
0x11: {  	_ =	swait.ge [sflag:s8], $0x400  }
0x12: {  	[sflag:s8] =	ssyncset.done $0x0  }
0x13: {  	[sflag:s8] =	ssyncadd.s32 $0xFFFFFC00  }
0x14: {  	[tilespmem:s10], [sflag:$0x2] =	stream.indirect.gather [hbm4b:s2+s9], $0x1, s3, s9, $0xb8;
	[tilespmem:$0x8A00] =	vst v63  }
0x15: {  	s0 =	simm.s32 $0x8480  }
0x16: {  	[tilespmem:s0], [sflag:$0x2] =	stream.indirect.gather [hbm4b:s2+s9], $0x1, s9, s9, $0xb8;
	[tilespmem:$0x8A00] =	vst v63  }
0x17: {  	s13 =	simm.s32 $0x100;
	s1 =	simm.s32 $0x8500  }
0x18: {  	[tilespmem:s1], [sflag:$0x2] =	stream.indirect.gather [hbm4b:s2+s9], $0x1, s13, s9, $0xb8;
	[tilespmem:$0x8A00] =	vst v63  }
0x19: {  	s14 =	simm.s32 $0x180  }
0x1a: {  	[tilespmem:s15], [sflag:$0x2] =	stream.indirect.gather [hbm4b:s2+s9], $0x1, s14, s9, $0xb8;
	[tilespmem:$0x8A00] =	vst v63  }
0x1b: {  	_ = 	snop  }
0x1c: {  	[tilespmem:s17], [sflag:$0x2] =	stream.indirect.gather [hbm4b:s2+s9], $0x1, s16, s9, $0xb8;
	[tilespmem:$0x8A00] =	vst v63  }
0x1d: {  	_ = 	snop  }
0x1e: {  	[tilespmem:s19], [sflag:$0x2] =	stream.indirect.gather [hbm4b:s2+s9], $0x1, s18, s9, $0xb8;
	[tilespmem:$0x8A00] =	vst v63  }
0x1f: {  	_ = 	snop  }
0x20: {  	[tilespmem:s21], [sflag:$0x2] =	stream.indirect.gather [hbm4b:s2+s9], $0x1, s20, s9, $0xb8;
	[tilespmem:$0x8A00] =	vst v63  }
0x21: {  	_ = 	snop  }
0x22: {  	[tilespmem:s23], [sflag:$0x2] =	stream.indirect.gather [hbm4b:s2+s9], $0x1, s22, s9, $0xb8;
	[tilespmem:$0x8A00] =	vst v63  }
0x23: {  	_ =	swait.ge [sflag:s24], $0x80  }
0x24: {  	[sflag:s24] =	ssyncset.done $0x0  }
0x25: {  	[sflag:s24] =	ssyncadd.s32 $0xFFFFFF80  }
0x26: {  	_ =	swait.ge [sflag:s24], $0x80  }
0x27: {  	[sflag:s24] =	ssyncset.done $0x0  }
0x28: {  	[sflag:s24] =	ssyncadd.s32 $0xFFFFFF80  }
0x29: {  	_ =	swait.ge [sflag:s24], $0x80  }
0x2a: {  	[sflag:s24] =	ssyncset.done $0x0  }
0x2b: {  	[sflag:s24] =	ssyncadd.s32 $0xFFFFFF80  }
0x2c: {  	_ =	swait.ge [sflag:s24], $0x80  }
0x2d: {  	[sflag:s24] =	ssyncset.done $0x0  }
0x2e: {  	[sflag:s24] =	ssyncadd.s32 $0xFFFFFF80  }
0x2f: {  	_ =	swait.ge [sflag:s24], $0x80  }
0x30: {  	[sflag:s24] =	ssyncset.done $0x0  }
0x31: {  	[sflag:s24] =	ssyncadd.s32 $0xFFFFFF80  }
0x32: {  	_ =	swait.ge [sflag:s24], $0x80  }
0x33: {  	[sflag:s24] =	ssyncset.done $0x0  }
0x34: {  	[sflag:s24] =	ssyncadd.s32 $0xFFFFFF80  }
0x35: {  	_ =	swait.ge [sflag:s24], $0x80  }
0x36: {  	[sflag:s24] =	ssyncset.done $0x0  }
0x37: {  	[sflag:s24] =	ssyncadd.s32 $0xFFFFFF80  }
0x38: {  	_ =	swait.ge [sflag:s24], $0x80  }
0x39: {  	[sflag:s24] =	ssyncset.done $0x0  }
0x3a: {  	s31 =	simm.s32 $0x0;
	[sflag:s24] =	ssyncadd.s32 $0xFFFFFF80  }
.LBB2_2:
0x3b: {  	s0 =	sshll.u32 s31, $0x8  }
0x3c: {  	s0 =	sand.u32 $0x3FFFFF00, s0  }
0x3d: {  	[tilespmem:s25], [sflag:$0x1] =	stream.indirect.gather [hbm4b:s4+s9], $0x80, s0, s9, $0xb8;
	[tilespmem:$0x8A00] =	vst v63  }
0x3e: {  	s0 =	sor.u32 $0x80, s0  }
0x3f: {  	[tilespmem:s26], [sflag:$0x1] =	stream.indirect.gather [hbm4b:s4+s9], $0x80, s0, s9, $0xb8;
	[tilespmem:$0x8A00] =	vst v63  }
0x40: {  	_ =	swait.ge [sflag:s28], $0x4000  }
0x41: {  	[sflag:s28] =	ssyncset.done $0x0  }
0x42: {  	[sflag:s28] =	ssyncadd.s32 $0xFFFFC000  }
0x43: {  	_ =	swait.ge [sflag:s28], $0x4000  }
0x44: {  	[sflag:s28] =	ssyncset.done $0x0  }
0x45: {  	s1 =	simm.s32 $0x0;
	s0 =	sshll.u32 s31, $0x7;
	[sflag:s28] =	ssyncadd.s32 $0xFFFFC000  }
.LBB2_3:
0x46: {  	s11 =	sshll.u32 s1, $0x5;
	s12 =	simm.s32 $0x1  }
0x47: {  	s13 =	simm.s32 $0x0;
	v7 =	vimm.f32 $0.0e+00;
	s14 =	simm.s32 $0x7;
	v3 =	vmov s11;
	v4 =	vmov s12  }
0x48: {  	v5 =	vmov s13;
	v12 =	vmov s14;
	v4 =	vand.u32 $0x79, v4  }
0x49: {  	s12 =	simm.s32 $0x2;
	v3 =	vshll.u32 v3, $0x7;
	v6 =	vand.u32 $0x78, v5;
	v4 =	vbroadcast v4, $0x0  }
0x4a: {  	s13 =	simm.s32 $0x3;
	v8 =	vmov s12;
	v5 =	vor.u32 v1, v3;
	v6 =	vbroadcast v6, $0x0  }
0x4b: {  	v11 =	vmov s13;
	v12 =	vand.u32 $0x7F, v12;
	v9 =	vor.u32 v5, v4  }
0x4c: {  	s14 =	simm.s32 $0x5;
	v3 =	vor.u32 v2, v3;
	v8 =	vand.u32 $0x7A, v8;
	v10 =	vor.u32 v5, v6  }
0x4d: {  	s13 =	simm.s32 $0x4;
	v16 =	vmov s14;
	v8 =	vbroadcast v8, $0x0;
	v6 =	vor.u32 v3, v6  }
0x4e: {  	v11 =	vand.u32 $0x7B, v11;
	v14 =	vmov s13;
	v4 =	vor.u32 v3, v4  }
0x4f: {  	s12 =	simm.s32 $0x6;
	v16 =	vand.u32 $0x7D, v16;
	v11 =	vbroadcast v11, $0x0;
	v13 =	vor.u32 v5, v8  }
0x50: {  	v17 =	vmov s12;
	v14 =	vand.u32 $0x7C, v14;
	v8 =	vor.u32 v3, v8;
	v9 =	vld.idx.msk [tilespmem:v9+s25+$0x0], $0xffff  }
0x51: {  	v12 =	vbroadcast v12, $0x0;
	v14 =	vbroadcast v14, $0x0;
	v15 =	vor.u32 v5, v11;
	v10 =	vld.idx.msk [tilespmem:v10+s25+$0x0], $0xffff  }
0x52: {  	v16 =	vbroadcast v16, $0x0;
	v17 =	vand.u32 $0x7E, v17;
	v11 =	vor.u32 v3, v11;
	v18 =	vld.idx.msk [tilespmem:v6+s25+$0x0], $0xffff  }
0x53: {  	v17 =	vbroadcast v17, $0x0;
	v22 =	vor.u32 v5, v12;
	v19 =	vor.u32 v5, v14;
	v20 =	vld.idx.msk [tilespmem:v4+s25+$0x0], $0xffff  }
0x54: {  	v12 =	vor.u32 v3, v12;
	v21 =	vor.u32 v5, v16;
	v14 =	vor.u32 v3, v14;
	v13 =	vld.idx.msk [tilespmem:v13+s25+$0x0], $0xffff  }
0x55: {  	s14 =	simm.s32 $0x8;
	s13 =	simm.s32 $0x9;
	v16 =	vor.u32 v3, v16;
	v24 =	vor.u32 v5, v17;
	v17 =	vor.u32 v3, v17;
	v8 =	vld.idx.msk [tilespmem:v8+s25+$0x0], $0xffff  }
0x56: {  	v6 =	vmov s13;
	v4 =	vmov s14;
	v15 =	vld.idx.msk [tilespmem:v15+s25+$0x0], $0xffff;
	v23 =	vmul.f32 v10, v10  }
0x57: {  	v6 =	vand.u32 $0x79, v6;
	v11 =	vld.idx.msk [tilespmem:v11+s25+$0x0], $0xffff;
	v25 =	vmul.f32 v18, v18;
	v10 =	vmul.f32 v18, v10  }
0x58: {  	v54 =	vld.idx.msk [tilespmem:v19+s25+$0x0], $0xffff;
	v56 =	vmul.f32 v9, v9;
	v26 =	vmul.f32 v20, v20;
	v55 =	vadd.f32 v23, v7  }
0x59: {  	v14 =	vld.idx.msk [tilespmem:v14+s25+$0x0], $0xffff;
	v9 =	vmul.f32 v20, v9;
	v25 =	vadd.f32 v25, v7;
	v7 =	vadd.f32 v10, v7  }
0x5a: {  	v16 =	vld.idx.msk [tilespmem:v16+s25+$0x0], $0xffff;
	v57 =	vmul.f32 v13, v13;
	v58 =	vmul.f32 v8, v8;
	v19 =	vadd.f32 v56, v55  }
0x5b: {  	v8 =	vmul.f32 v8, v13;
	v10 =	vld.idx.msk [tilespmem:v21+s25+$0x0], $0xffff;
	v59 =	vadd.f32 v26, v25;
	v7 =	vadd.f32 v9, v7  }
0x5c: {  	v17 =	vld.idx.msk [tilespmem:v17+s25+$0x0], $0xffff;
	v60 =	vmul.f32 v15, v15;
	v61 =	vmul.f32 v11, v11;
	v13 =	vadd.f32 v57, v19  }
0x5d: {  	v9 =	vld.idx.msk [tilespmem:v24+s25+$0x0], $0xffff;
	v21 =	vadd.f32 v58, v59;
	v7 =	vadd.f32 v8, v7;
	v8 =	vmul.f32 v11, v15  }
0x5e: {  	v63 =	vld.idx.msk [tilespmem:v12+s25+$0x0], $0xffff;
	v62 =	vmul.f32 v14, v14;
	v11 =	vadd.f32 v60, v13;
	v13 =	vmul.f32 v54, v54  }
0x5f: {  	v15 =	vld.idx.msk [tilespmem:v22+s25+$0x0], $0xffff;
	v12 =	vadd.f32 v61, v21;
	v7 =	vadd.f32 v8, v7;
	v8 =	vmul.f32 v14, v54  }
0x60: {  	v14 =	vmul.f32 v16, v16;
	v11 =	vadd.f32 v13, v11;
	v13 =	vmul.f32 v10, v10  }
0x61: {  	v12 =	vadd.f32 v62, v12;
	v7 =	vadd.f32 v8, v7;
	v8 =	vmul.f32 v16, v10  }
0x62: {  	v10 =	vadd.f32 v13, v11;
	v11 =	vmul.f32 v9, v9;
	v13 =	vmul.f32 v17, v17  }
0x63: {  	v14 =	vadd.f32 v14, v12;
	v7 =	vadd.f32 v8, v7;
	v8 =	vmul.f32 v17, v9  }
0x64: {  	v12 =	vmul.f32 v15, v15;
	v9 =	vmul.f32 v63, v63;
	v11 =	vadd.f32 v11, v10  }
0x65: {  	s11 =	simm.s32 $0xF;
	s12 =	simm.s32 $0x17;
	v10 =	vadd.f32 v13, v14;
	v7 =	vadd.f32 v8, v7;
	v8 =	vmul.f32 v63, v15  }
.LBB2_4:
0x66: {  	p0 =	sne.s32 s12, $0x3F;
	v4 =	vand.u32 $0x78, v4;
	v6 =	vbroadcast v6, $0x0;
	v11 =	vadd.f32 v12, v11  }
0x67: {  	s13 =	sadd.s32 $0xFFFFFFFB, s11;
	v4 =	vbroadcast v4, $0x0;
	v9 =	vadd.f32 v9, v10;
	v7 =	vadd.f32 v8, v7  }
0x68: {  	v10 =	vmov s13;
	v8 =	vor.u32 v5, v6  }
0x69: {  	s13 =	sadd.s32 $0xFFFFFFFC, s11;
	v10 =	vand.u32 $0x7A, v10;
	v12 =	vor.u32 v5, v4  }
0x6a: {  	v13 =	vmov s13;
	v4 =	vor.u32 v3, v4;
	v10 =	vbroadcast v10, $0x0  }
0x6b: {  	v14 =	vmov s11;
	v6 =	vor.u32 v3, v6;
	s13 =	sadd.s32 $0xFFFFFFFD, s11;
	v13 =	vand.u32 $0x7B, v13  }
0x6c: {  	v16 =	vmov s13;
	v13 =	vbroadcast v13, $0x0;
	v15 =	vor.u32 v5, v10  }
0x6d: {  	v14 =	vand.u32 $0x7F, v14;
	s13 =	sadd.s32 $0xFFFFFFFE, s11;
	v16 =	vand.u32 $0x7C, v16;
	v10 =	vor.u32 v3, v10;
	v8 =	vld.idx.msk [tilespmem:v8+s25+$0x0], $0xffff  }
0x6e: {  	v18 =	vmov s13;
	s13 =	sadd.s32 $0xFFFFFFFF, s11;
	s11 =	smov.u32 s12;
	v16 =	vbroadcast v16, $0x0;
	v17 =	vor.u32 v5, v13;
	v12 =	vld.idx.msk [tilespmem:v12+s25+$0x0], $0xffff  }
0x6f: {  	s14 =	sadd.s32 $0xFFFFFFFA, s12;
	v13 =	vor.u32 v3, v13;
	v19 =	vld.idx.msk [tilespmem:v4+s25+$0x0], $0xffff;
	v4 =	vand.u32 $0x7D, v18;
	v18 =	vmov s13  }
0x70: {  	v20 =	vmov s14;
	v22 =	vor.u32 v5, v16;
	v21 =	vld.idx.msk [tilespmem:v6+s25+$0x0], $0xffff;
	v23 =	vbroadcast v4, $0x0  }
0x71: {  	v14 =	vbroadcast v14, $0x0;
	v16 =	vor.u32 v3, v16;
	s13 =	sadd.s32 $0xFFFFFFF9, s12;
	v6 =	vand.u32 $0x7E, v18;
	v15 =	vld.idx.msk [tilespmem:v15+s25+$0x0], $0xffff  }
0x72: {  	v4 =	vmov s13;
	v24 =	vbroadcast v6, $0x0;
	v10 =	vld.idx.msk [tilespmem:v10+s25+$0x0], $0xffff;
	v18 =	vor.u32 v5, v23  }
0x73: {  	v6 =	vand.u32 $0x79, v20;
	v20 =	vor.u32 v3, v23;
	v23 =	vor.u32 v5, v14;
	v17 =	vld.idx.msk [tilespmem:v17+s25+$0x0], $0xffff  }
0x74: {  	v14 =	vor.u32 v3, v14;
	v25 =	vmul.f32 v12, v12;
	v26 =	vor.u32 v5, v24;
	v13 =	vld.idx.msk [tilespmem:v13+s25+$0x0], $0xffff  }
0x75: {  	v27 =	vmul.f32 v19, v19;
	v12 =	vmul.f32 v19, v12;
	v19 =	vld.idx.msk [tilespmem:v22+s25+$0x0], $0xffff;
	v22 =	vor.u32 v3, v24  }
0x76: {  	v11 =	vadd.f32 v25, v11;
	v24 =	vmul.f32 v8, v8;
	v25 =	vmul.f32 v21, v21;
	v16 =	vld.idx.msk [tilespmem:v16+s25+$0x0], $0xffff  }
0x77: {  	v8 =	vmul.f32 v21, v8;
	v9 =	vadd.f32 v27, v9;
	v7 =	vadd.f32 v12, v7;
	v12 =	vld.idx.msk [tilespmem:v18+s25+$0x0], $0xffff  }
0x78: {  	v11 =	vadd.f32 v24, v11;
	v18 =	vmul.f32 v15, v15;
	v21 =	vmul.f32 v10, v10;
	v20 =	vld.idx.msk [tilespmem:v20+s25+$0x0], $0xffff  }
0x79: {  	v9 =	vadd.f32 v25, v9;
	v7 =	vadd.f32 v8, v7;
	v8 =	vmul.f32 v10, v15;
	v10 =	vld.idx.msk [tilespmem:v26+s25+$0x0], $0xffff  }
0x7a: {  	v15 =	vmul.f32 v17, v17;
	v11 =	vadd.f32 v18, v11;
	v18 =	vmul.f32 v13, v13;
	v22 =	vld.idx.msk [tilespmem:v22+s25+$0x0], $0xffff  }
0x7b: {  	v9 =	vadd.f32 v21, v9;
	v7 =	vadd.f32 v8, v7;
	v8 =	vmul.f32 v13, v17;
	v13 =	vld.idx.msk [tilespmem:v23+s25+$0x0], $0xffff  }
0x7c: {  	v11 =	vadd.f32 v15, v11;
	v15 =	vmul.f32 v19, v19;
	v17 =	vmul.f32 v16, v16;
	v14 =	vld.idx.msk [tilespmem:v14+s25+$0x0], $0xffff  }
0x7d: {  	v9 =	vadd.f32 v18, v9;
	v7 =	vadd.f32 v8, v7;
	v8 =	vmul.f32 v16, v19  }
0x7e: {  	v11 =	vadd.f32 v15, v11;
	v15 =	vmul.f32 v12, v12;
	v16 =	vmul.f32 v20, v20  }
.Ltmp0:
0x7f: {  	v9 =	vadd.f32 v17, v9;
	v7 =	vadd.f32 v8, v7;
	v8 =	vmul.f32 v20, v12;
	(pc) =	sbr.rel @p0 .LBB2_4-.Ltmp0, $4  }
0x80: {  	v12 =	vmul.f32 v10, v10;
	v11 =	vadd.f32 v15, v11;
	v15 =	vmul.f32 v22, v22  }
0x81: {  	v16 =	vadd.f32 v16, v9;
	v7 =	vadd.f32 v8, v7;
	v8 =	vmul.f32 v22, v10  }
0x82: {  	v11 =	vadd.f32 v12, v11;
	v12 =	vmul.f32 v13, v13;
	v9 =	vmul.f32 v14, v14  }
0x83: {  	s12 =	sadd.s32 $0x8, s12;
	v10 =	vadd.f32 v15, v16;
	v7 =	vadd.f32 v8, v7;
	v8 =	vmul.f32 v14, v13  }
0x84: {  	v4 =	vand.u32 $0x78, v4;
	v6 =	vbroadcast v6, $0x0  }
0x85: {  	v13 =	vbroadcast v4, $0x0  }
0x86: {  	s12 =	sadd.s32 $0xFFFFFFFB, s11;
	s13 =	sshll.u32 s1, $0x4;
	v14 =	vor.u32 v5, v6  }
0x87: {  	v18 =	vmov s11;
	v53 =	vmov s12;
	s14 =	sadd.s32 s0, s13;
	v54 =	vor.u32 v5, v13  }
0x88: {  	v18 =	vand.u32 $0x7F, v18;
	v4 =	vor.u32 s14, v0;
	v13 =	vor.u32 v3, v13  }
0x89: {  	s13 =	sadd.s32 $0xFFFFFFFC, s11;
	v15 =	vand.u32 $0x7A, v53;
	v18 =	vbroadcast v18, $0x0;
	v17 =	vshll.u32 v4, $0x1  }
0x8a: {  	v16 =	vmov s13;
	v6 =	vor.u32 v3, v6;
	v15 =	vbroadcast v15, $0x0  }
0x8b: {  	v11 =	vadd.f32 v12, v11;
	s14 =	sadd.s32 $0xFFFFFFFD, s11;
	v16 =	vand.u32 $0x7B, v16;
	v26 =	vor.u32 v5, v18;
	v14 =	vld.idx.msk [tilespmem:v14+s25+$0x0], $0xffff  }
0x8c: {  	v20 =	vmov s14;
	v16 =	vbroadcast v16, $0x0;
	v19 =	vor.u32 v5, v15;
	v12 =	vld.idx.msk [tilespmem:v54+s25+$0x0], $0xffff  }
0x8d: {  	v9 =	vadd.f32 v9, v10;
	s13 =	sadd.s32 $0xFFFFFFFE, s11;
	v20 =	vand.u32 $0x7C, v20;
	v15 =	vor.u32 v3, v15;
	v13 =	vld.idx.msk [tilespmem:v13+s25+$0x0], $0xffff  }
0x8e: {  	v22 =	vmov s13;
	s14 =	sadd.s32 $0xFFFFFFFF, s11;
	v20 =	vbroadcast v20, $0x0;
	v21 =	vor.u32 v5, v16;
	v24 =	vld.idx.msk [tilespmem:v17+s10+$0x0], $0xffff  }
0x8f: {  	v22 =	vand.u32 $0x7D, v22;
	v23 =	vmov s14;
	v16 =	vor.u32 v3, v16;
	v6 =	vld.idx.msk [tilespmem:v6+s25+$0x0], $0xffff  }
0x90: {  	v22 =	vbroadcast v22, $0x0;
	v23 =	vand.u32 $0x7E, v23;
	v25 =	vor.u32 v5, v20;
	v26 =	vld.idx.msk [tilespmem:v26+s25+$0x0], $0xffff  }
0x91: {  	v18 =	vor.u32 v3, v18;
	v23 =	vbroadcast v23, $0x0;
	v20 =	vor.u32 v3, v20;
	v19 =	vld.idx.msk [tilespmem:v19+s25+$0x0], $0xffff  }
0x92: {  	v56 =	vor.u32 v5, v22;
	v22 =	vor.u32 v3, v22;
	v55 =	vld.idx.msk [tilespmem:v15+s25+$0x0], $0xffff;
	v27 =	vmul.f32 v12, v12  }
0x93: {  	v57 =	vor.u32 v5, v23;
	v21 =	vld.idx.msk [tilespmem:v21+s25+$0x0], $0xffff;
	v28 =	vmul.f32 v13, v13;
	v24 =	vsub.f32 $0.0e+00, v24  }
0x94: {  	v3 =	vor.u32 v3, v23;
	v16 =	vld.idx.msk [tilespmem:v16+s25+$0x0], $0xffff;
	v58 =	vmul.f32 v14, v14;
	v11 =	vadd.f32 v27, v11  }
0x95: {  	v25 =	vld.idx.msk [tilespmem:v25+s25+$0x0], $0xffff;
	v59 =	vmul.f32 v6, v6;
	v9 =	vadd.f32 v28, v9;
	v24 =	vmul.f32 $1.442695020e+00, v24  }
0x96: {  	v17 =	vor.u32 $0x1, v17;
	v20 =	vld.idx.msk [tilespmem:v20+s25+$0x0], $0xffff;
	v60 =	vmul.f32 v19, v19;
	v11 =	vadd.f32 v58, v11  }
0x97: {  	v15 =	vld.idx.msk [tilespmem:v56+s25+$0x0], $0xffff;
	v61 =	vmul.f32 v55, v55;
	v9 =	vadd.f32 v59, v9;
	(erf) = vpow2.f32 v24  }
0x98: {  	v22 =	vld.idx.msk [tilespmem:v22+s25+$0x0], $0xffff;
	v62 =	vmul.f32 v21, v21;
	v11 =	vadd.f32 v60, v11  }
0x99: {  	v5 =	vld.idx.msk [tilespmem:v57+s25+$0x0], $0xffff;
	v63 =	vmul.f32 v16, v16;
	v9 =	vadd.f32 v61, v9  }
0x9a: {  	v3 =	vld.idx.msk [tilespmem:v3+s25+$0x0], $0xffff;
	v30 =	vmul.f32 v25, v25;
	v11 =	vadd.f32 v62, v11  }
0x9b: {  	v17 =	vld.idx.msk [tilespmem:v17+s10+$0x0], $0xffff;
	v31 =	vmul.f32 v20, v20;
	v9 =	vadd.f32 v63, v9  }
0x9c: {  	v18 =	vld.idx.msk [tilespmem:v18+s25+$0x0], $0xffff;
	v32 =	vmul.f32 v15, v15;
	v11 =	vadd.f32 v30, v11  }
0x9d: {  	v33 =	vmul.f32 v22, v22;
	v9 =	vadd.f32 v31, v9  }
0x9e: {  	v34 =	vmul.f32 v5, v5;
	v11 =	vadd.f32 v32, v11  }
0x9f: {  	v35 =	vmul.f32 v3, v3;
	v9 =	vadd.f32 v33, v9  }
0xa0: {  	v36 =	vmul.f32 v26, v26;
	v17 =	vsub.f32 $0.0e+00, v17;
	v37 =	vpop (erf);
	v11 =	vadd.f32 v34, v11  }
0xa1: {  	v38 =	vmul.f32 v18, v18;
	v9 =	vadd.f32 v35, v9;
	v24 =	vadd.f32 $1.000000000e+00, v37  }
0xa2: {  	v17 =	vmul.f32 $1.442695020e+00, v17;
	v11 =	vadd.f32 v36, v11  }
0xa3: {  	v9 =	vadd.f32 v38, v9;
	(erf) = vrcp.f32 v24  }
0xa4: {  	(erf) = vpow2.f32 v17;
	v39 =	vmax.f32 v11, $1.000000020e-24  }
0xa5: {  	v41 =	vmax.f32 v9, $1.000000020e-24;
	v40 =	vshra.s32 v39, $0x1;
	v17 =	vmul.f32 $5.000000000e-01, v39  }
0xa6: {  	v42 =	vshra.s32 v41, $0x1;
	v24 =	vmul.f32 $5.000000000e-01, v41;
	v23 =	vsub.s32 $0x5F3759DF, v40  }
0xa7: {  	v27 =	vsub.s32 $0x5F3759DF, v42;
	v43 =	vmul.f32 v23, v17  }
0xa8: {  	v29 =	vmul.f32 v27, v24  }
0xa9: {  	v28 =	vmul.f32 v23, v43  }
0xaa: {  	v29 =	vmul.f32 v27, v29  }
0xab: {  	v28 =	vsub.f32 $1.500000000e+00, v28  }
0xac: {  	v45 =	vsub.f32 $1.500000000e+00, v29  }
0xad: {  	v7 =	vadd.f32 v8, v7;
	v44 =	vmul.f32 v13, v12;
	v47 =	vpop (erf);
	v46 =	vmul.f32 v23, v28  }
0xae: {  	v6 =	vmul.f32 v6, v14;
	v48 =	vpop (erf);
	v12 =	vmul.f32 v27, v45  }
0xaf: {  	v7 =	vadd.f32 v44, v7;
	v8 =	vadd.f32 $1.000000000e+00, v48;
	v49 =	vmul.f32 v46, v17  }
0xb0: {  	v50 =	vmul.f32 v55, v19;
	v51 =	vmul.f32 v12, v24  }
0xb1: {  	v6 =	vadd.f32 v6, v7;
	(erf) = vrcp.f32 v8;
	v52 =	vmul.f32 v49, v46  }
0xb2: {  	v10 =	vmul.f32 v51, v12  }
0xb3: {  	v53 =	vmul.f32 v16, v21;
	v6 =	vadd.f32 v50, v6;
	v8 =	vsub.f32 $1.500000000e+00, v52  }
0xb4: {  	v10 =	vsub.f32 $1.500000000e+00, v10  }
0xb5: {  	v54 =	vmul.f32 v20, v25;
	v6 =	vadd.f32 v53, v6;
	v8 =	vmul.f32 v8, v46  }
0xb6: {  	v10 =	vmul.f32 v10, v12  }
0xb7: {  	v55 =	vmul.f32 v22, v15;
	v6 =	vadd.f32 v54, v6;
	v56 =	vmul.f32 v8, v17  }
0xb8: {  	v3 =	vmul.f32 v3, v5;
	v57 =	vmul.f32 v10, v24  }
0xb9: {  	v61 =	vmul.f32 v18, v26;
	v6 =	vadd.f32 v55, v6;
	v58 =	vmul.f32 v56, v8  }
0xba: {  	v59 =	vmul.f32 $8.000000110e-01, v47;
	v60 =	vpop (erf);
	v5 =	vmul.f32 v57, v10  }
0xbb: {  	v3 =	vadd.f32 v3, v6;
	v12 =	vmul.f32 $8.000000110e-01, v60;
	v7 =	vsub.f32 $1.500000000e+00, v58  }
0xbc: {  	v6 =	vadd.f32 $1.000000010e-01, v59;
	v5 =	vsub.f32 $1.500000000e+00, v5  }
0xbd: {  	v3 =	vadd.f32 v61, v3;
	v12 =	vadd.f32 $1.000000010e-01, v12;
	v7 =	vmul.f32 v7, v8  }
0xbe: {  	v62 =	vmul.f32 v6, v6;
	v5 =	vmul.f32 v5, v10  }
0xbf: {  	v63 =	vmul.f32 v12, v12;
	v3 =	vmul.f32 v7, v3  }
0xc0: {  	v11 =	vmul.f32 v7, v11;
	v9 =	vmul.f32 v5, v9  }
0xc1: {  	v12 =	vmul.f32 v12, v6;
	v3 =	vmul.f32 v5, v3  }
0xc2: {  	v7 =	vmul.f32 v11, v7;
	v5 =	vmul.f32 v9, v5  }
0xc3: {  	v3 =	vmul.f32 v12, v3  }
0xc4: {  	v7 =	vmul.f32 v62, v7;
	v5 =	vmul.f32 v63, v5;
	_ =	sdelay $0x1  }
0xc5: {  	v16 =	vmul.f32 v63, v62;
	v5 =	vadd.f32 v5, v7;
	v15 =	vadd.f32 v3, v3;
	_ =	sdelay $0x1  }
0xc6: {  	v9 =	vadd.f32 $1.000000000e+00, v16;
	v5 =	vsub.f32 v5, v15;
	_ =	sdelay $0x1  }
0xc7: {  	v7 =	vsub.f32 v9, v15;
	v17 =	vmax.f32 v5, $1.000000000e-30  }
0xc8: {  	v18 =	vshra.s32 v17, $0x1;
	v11 =	vmul.f32 $5.000000000e-01, v17  }
0xc9: {  	v19 =	vmax.f32 v7, $1.000000000e-30;
	v9 =	vsub.s32 $0x5F3759DF, v18  }
0xca: {  	v21 =	vshra.s32 v19, $0x1;
	v12 =	vmul.f32 $5.000000000e-01, v19;
	v20 =	vmul.f32 v9, v11  }
0xcb: {  	v14 =	vsub.s32 $0x5F3759DF, v21  }
0xcc: {  	v22 =	vmul.f32 v14, v12;
	v13 =	vmul.f32 v9, v20;
	_ =	sdelay $0x1  }
0xcd: {  	v15 =	vmul.f32 v14, v22;
	v13 =	vsub.f32 $1.500000000e+00, v13;
	_ =	sdelay $0x1  }
0xce: {  	v23 =	vsub.f32 $1.500000000e+00, v15;
	v9 =	vmul.f32 v9, v13;
	_ =	sdelay $0x1  }
0xcf: {  	v13 =	vmul.f32 v14, v23;
	v24 =	vmul.f32 v9, v11;
	_ =	sdelay $0x1  }
0xd0: {  	v26 =	vmul.f32 v13, v12;
	v25 =	vmul.f32 v24, v9;
	_ =	sdelay $0x1  }
0xd1: {  	v15 =	vmul.f32 v26, v13;
	v14 =	vsub.f32 $1.500000000e+00, v25;
	_ =	sdelay $0x1  }
0xd2: {  	v27 =	vsub.f32 $1.500000000e+00, v15;
	v9 =	vmul.f32 v14, v9;
	_ =	sdelay $0x1  }
0xd3: {  	v13 =	vmul.f32 v27, v13;
	v11 =	vmul.f32 v9, v11;
	_ =	sdelay $0x1  }
0xd4: {  	v12 =	vmul.f32 v13, v12;
	v11 =	vmul.f32 v11, v9;
	_ =	sdelay $0x1  }
0xd5: {  	v12 =	vmul.f32 v12, v13;
	v11 =	vsub.f32 $1.500000000e+00, v11;
	_ =	sdelay $0x1  }
0xd6: {  	v28 =	vsub.f32 $1.500000000e+00, v12;
	v9 =	vmul.f32 v11, v9  }
0xd7: {  	v5 =	vmax.f32 v5, $0.0e+00  }
0xd8: {  	v29 =	vmul.f32 v28, v13;
	v5 =	vmul.f32 v9, v5  }
0xd9: {  	v7 =	vmax.f32 v7, $0.0e+00  }
0xda: {  	v7 =	vmul.f32 v29, v7;
	v5 =	vmul.f32 v5, v6;
	_ =	sdelay $0x1  }
0xdb: {  	v5 =	vmul.f32 v5, v7;
	_ =	sdelay $0x1  }
0xdc: {  	v5 =	vadd.f32 $1.000000030e-22, v5  }
0xdd: {  	(erf) = vrcp.f32 v6  }
0xde: {  	(erf) = vrcp.f32 v5;
	_ =	sdelay $0x3  }
0xdf: {  	v30 =	vadd.f32 $1.000000000e+00, v62;
	v31 =	vadd.f32 $1.000000000e+00, v63  }
0xe0: {  	v32 =	vsub.f32 $1.000000000e+00, v62  }
0xe1: {  	v33 =	vmul.f32 v31, v62;
	v3 =	vmul.f32 v3, v30  }
0xe2: {  	v34 =	vmul.f32 $1.010100990e-01, v32  }
0xe3: {  	v35 =	vpop (erf);
	v3 =	vsub.f32 v3, v33  }
0xe4: {  	v36 =	vmul.f32 v34, v35;
	v37 =	vpop (erf)  }
0xe5: {  	v3 =	vmul.f32 v37, v3  }
0xe6: {  	v5 =	vmax.f32 v36, $-1.000000000e+00  }
0xe7: {  	v5 =	vmin.f32 v5, $1.000000000e+00;
	v3 =	vmax.f32 v3, $-1.000000000e+00  }
0xe8: {  	v38 =	vand.u32 $0x7FFFFFFF, v5;
	v3 =	vmin.f32 v3, $1.000000000e+00  }
0xe9: {  	v39 =	vsub.f32 $1.000000000e+00, v38;
	v40 =	vand.u32 $0x7FFFFFFF, v3  }
0xea: {  	v41 =	vsub.f32 $1.000000000e+00, v40  }
0xeb: {  	v7 =	vmul.f32 $5.000000000e-01, v39  }
0xec: {  	v9 =	vmul.f32 $5.000000000e-01, v41  }
0xed: {  	v42 =	vmax.f32 v7, $1.000000000e-30  }
0xee: {  	v43 =	vshra.s32 v42, $0x1;
	v10 =	vmul.f32 $5.000000000e-01, v42;
	v44 =	vmax.f32 v9, $1.000000000e-30  }
0xef: {  	v11 =	vsub.s32 $0x5F3759DF, v43;
	v45 =	vshra.s32 v44, $0x1;
	v12 =	vmul.f32 $5.000000000e-01, v44  }
0xf0: {  	v46 =	vmul.f32 v11, v10;
	v13 =	vsub.s32 $0x5F3759DF, v45  }
0xf1: {  	v47 =	vmul.f32 v13, v12  }
0xf2: {  	v14 =	vmul.f32 v11, v46  }
0xf3: {  	v15 =	vmul.f32 v13, v47  }
0xf4: {  	v14 =	vsub.f32 $1.500000000e+00, v14  }
0xf5: {  	v15 =	vsub.f32 $1.500000000e+00, v15  }
0xf6: {  	v11 =	vmul.f32 v11, v14  }
0xf7: {  	v13 =	vmul.f32 v13, v15  }
0xf8: {  	v14 =	vmul.f32 v11, v10  }
0xf9: {  	v15 =	vmul.f32 v13, v12  }
0xfa: {  	v49 =	vmul.f32 v3, v3;
	v14 =	vmul.f32 v14, v11  }
0xfb: {  	v48 =	vmul.f32 v5, v5;
	vm1 =	vgt.f32 v40, $5.000000000e-01;
	v15 =	vmul.f32 v15, v13  }
0xfc: {  	vm0 =	vgt.f32 v38, $5.000000000e-01;
	v17 =	vsel vm1, v9, v49;
	v14 =	vsub.f32 $1.500000000e+00, v14  }
0xfd: {  	v16 =	vsel vm0, v7, v48;
	v51 =	vmul.f32 $4.216320070e-02, v17;
	v15 =	vsub.f32 $1.500000000e+00, v15  }
0xfe: {  	v50 =	vmul.f32 $4.216320070e-02, v16;
	v11 =	vmul.f32 v14, v11  }
0xff: {  	v14 =	vadd.f32 $2.418131200e-02, v51;
	v13 =	vmul.f32 v15, v13  }
0x100: {  	v18 =	vadd.f32 $2.418131200e-02, v50;
	v10 =	vmul.f32 v11, v10  }
0x101: {  	v14 =	vmul.f32 v14, v17;
	v12 =	vmul.f32 v13, v12  }
0x102: {  	v52 =	vmul.f32 v18, v16;
	v10 =	vmul.f32 v10, v11  }
0x103: {  	v14 =	vadd.f32 $4.547002540e-02, v14;
	v12 =	vmul.f32 v12, v13  }
0x104: {  	v10 =	vsub.f32 $1.500000000e+00, v10;
	v15 =	vadd.f32 $4.547002540e-02, v52  }
0x105: {  	v53 =	vmul.f32 v14, v17;
	v12 =	vsub.f32 $1.500000000e+00, v12  }
0x106: {  	v10 =	vmul.f32 v10, v11;
	v15 =	vmul.f32 v15, v16  }
0x107: {  	v55 =	vadd.f32 $7.495300470e-02, v53;
	v12 =	vmul.f32 v12, v13  }
0x108: {  	v7 =	vmul.f32 v10, v7;
	v54 =	vadd.f32 $7.495300470e-02, v15  }
0x109: {  	v10 =	vmul.f32 v55, v17;
	v9 =	vmul.f32 v12, v9  }
0x10a: {  	v56 =	vmul.f32 v54, v16  }
0x10b: {  	v6 =	vsel vm0, v7, v38;
	v10 =	vadd.f32 $1.666675210e-01, v10;
	v8 =	vsel vm1, v9, v40  }
0x10c: {  	v58 =	vmul.f32 v6, v16;
	v57 =	vadd.f32 $1.666675210e-01, v56;
	v59 =	vmul.f32 v8, v17;
	_ =	sdelay $0x1  }
0x10d: {  	v7 =	vmul.f32 v58, v57;
	v60 =	vmul.f32 v59, v10;
	_ =	sdelay $0x1  }
0x10e: {  	v6 =	vadd.f32 v7, v6;
	v61 =	vadd.f32 v60, v8;
	_ =	sdelay $0x1  }
0x10f: {  	v62 =	vadd.f32 v6, v6;
	v9 =	vadd.f32 v61, v61;
	_ =	sdelay $0x1  }
0x110: {  	v8 =	vsub.f32 $1.570796370e+00, v62;
	v9 =	vsub.f32 $1.570796370e+00, v9;
	_ =	sdelay $0x1  }
0x111: {  	v6 =	vsel vm0, v8, v6;
	v7 =	vsel vm1, v9, v61  }
0x112: {  	v8 =	vsub.f32 $0.0e+00, v6;
	v9 =	vsub.f32 $0.0e+00, v7  }
0x113: {  	vm14 =	vlt.f32 v5, $0.0e+00;
	vm15 =	vlt.f32 v3, $0.0e+00  }
0x114: {  	s1 =	sadd.s32 $0x1, s1;
	v3 =	vsel vm14, v8, v6;
	v63 =	vsel vm15, v9, v7  }
0x115: {  	p0 =	sne.s32 s1, $0x8;
	v3 =	vadd.f32 v63, v3  }
.Ltmp1:
0x116: {  	_ = 	snop;
	(pc) =	sbr.rel @p0 .LBB2_3-.Ltmp1, $3  }
0x117: {  	v3 =	vadd.f32 $-1.570796370e+00, v3;
	_ =	sdelay $0x1  }
0x118: {  	v3 =	vmin.f32 v3, $0.0e+00  }
0x119: {  	[tilespmem:v4+s29+$0x0] =	vst.idx.msk $0xffff, v3  }
0x11a: {  	s31 =	sadd.s32 $0x1, s31  }
0x11b: {  	p0 =	sne.s32 s31, $0x4  }
.Ltmp2:
0x11c: {  	_ = 	snop;
	(pc) =	sbr.rel @p0 .LBB2_2-.Ltmp2, $1  }
0x11d: {  	_ =	sdelay $0x3  }
0x11e: {  	s30 =	sadd.s32 $0x1, s30  }
0x11f: {  	p0 =	sne.s32 s30, s7  }
.Ltmp3:
0x120: {  	_ = 	snop;
	(pc) =	sbr.rel @p0 .LBB2_1-.Ltmp3, $4  }
0x121: {  	[hbm4b:s6+s3] =	stream.linear.scatter [tilespmem:s29], [sflag:$0x3], $0x200, $0x38;
	[tilespmem:$0x8A00] =	vst v63  }
0x122: {  	_ =	swait.ge [sflag:s8], $0x200  }
0x123: {  	[sflag:s8] =	ssyncset.done $0x0  }
0x124: {  	[sflag:s8] =	ssyncadd.s32 $0xFFFFFE00  }
0x125: {  	_ =	sfence.sel $0x180000  }
0x126: {  	[bflag:$0x0] =	sbarrier.arrive $0xFFFF  }
0x127: {  	_ =	strace $0x90000047  }
0x128: {  	s0 =	stileid.u32;
	[bflag:$0x2] =	sbarrier.arrive $0xFFFF  }
0x129: {  	p0 =	sne.s32 s0, $0x0;
	s0 =	rddreg [dreg:$0x3]  }
0x12a: {  	s0 =	sadd.s32 @!p0 $0x100000, s0  }
0x12b: {  	[sflag:s0] =	ssyncadd.tile.s32 @!p0 $0x1;
	_ =	shalt  }
.Lfunc_end2:
_tile_overlayer_lowered:
.L_overlay_start_2:
0x12c: {  	(tag) =	ssettag $0x2  }
0x12d: {  	s0 =	rddreg [dreg:$0x0];
	s2 =	stileid.u32  }
0x12e: {  	s1 =	rddreg [dreg:$0x1];
	p0 =	sne.s32 s2, $0x0  }
0x12f: {  	s3 =	rddreg [dreg:$0x2];
	[bflag:$0x3] =	sbarrier.arrive $0xFFFF;
	s2 =	simm.s32 @!p0 $0x1C03  }
0x130: {  	[timem:s3], [sflag:s2] =	dma.local @!p0 [hbm:s0], s1  }
0x131: {  	s0 =	simm.s32 @!p0 $0x3  }
0x132: {  	_ =	swait.ge @!p0 [sflag:s0], s1  }
0x133: {  	s1 =	ssub.s32 @!p0 $0x0, s1;
	[sflag:s0] =	ssyncset.done @!p0 $0x0  }
0x134: {  	[sflag:s0] =	ssyncadd.s32 @!p0 s1  }
0x135: {  	[bflag:$0x3] =	sbarrier.arrive $0xFFFF  }
0x136: {  	_ =	shalt  }

</sc_bundles>
